<compile_context>
chip_gen: v7x
topology: tpu7x:2x2x1
jax: 0.10.2.dev20260603
libtpu: 0.0.44.dev20260713+nightly
codegen_flags: <defaults>
</compile_context>

<pallas_src>
import functools

import jax
import jax.numpy as jnp
import numpy as np
from jax import lax
from jax.experimental import pallas as pl
from jax.experimental.pallas import tpu as pltpu
from jax.experimental.pallas import tpu_sc as plsc

_B, _L, _D = 1024, 200, 64
_NW = 32
_SEQ_PER_W = _B // _NW
_C0, _C1 = 104, 96


def _pe01_table():
    position = jnp.arange(0, _L, dtype=jnp.float32)[:, None]
    div_term = jnp.exp(
        jnp.arange(0, _D, 2, dtype=jnp.float32) * -(np.log(10000.0) / _D))
    pe = jnp.zeros((_L, _D), dtype=jnp.float32)
    pe = pe.at[:, 0::2].set(jnp.sin(position * div_term))
    pe = pe.at[:, 1::2].set(jnp.cos(position * div_term))
    return 0.01 * pe


_mesh = plsc.VectorSubcoreMesh(core_axis_name="c", subcore_axis_name="s")


@functools.partial(
    pl.kernel,
    mesh=_mesh,
    compiler_params=pltpu.CompilerParams(use_tc_tiling_on_sc=False),
    out_type=[jax.ShapeDtypeStruct((_B * _L, _D), jnp.float32)] * 3,
    scratch_types=[
        pltpu.VMEM((_SEQ_PER_W * _L,), jnp.int32),
        pltpu.VMEM((_L, _D), jnp.float32),
        pltpu.VMEM((_L, _D), jnp.float32),
        pltpu.VMEM((_L, _D), jnp.float32),
        pltpu.VMEM((_L, _D), jnp.float32),
        pltpu.VMEM((_L, _D), jnp.float32),
        pltpu.VMEM((_L, _D), jnp.float32),
        pltpu.VMEM((2 * _L, _D), jnp.float32),
        pltpu.SemaphoreType.DMA,
        pltpu.SemaphoreType.DMA,
        pltpu.SemaphoreType.DMA,
        pltpu.SemaphoreType.DMA,
        pltpu.SemaphoreType.DMA,
        pltpu.SemaphoreType.DMA,
        pltpu.SemaphoreType.DMA,
        pltpu.SemaphoreType.DMA,
    ],
)
def _emb_kernel(idx_hbm, table_hbm, pos2_hbm,
                x_hbm, x1_hbm, x2_hbm,
                idx_all, tok0, tok1, xa0, xa1, xb0, xb1, pos2_v,
                g0, g1, s1a, s1b, sxa, sxb, s2a, s2b):
    wid = lax.axis_index("s") * 2 + lax.axis_index("c")
    base_all = wid * (_SEQ_PER_W * _L)
    pltpu.sync_copy(idx_hbm.at[pl.ds(base_all, _SEQ_PER_W * _L)], idx_all)
    pltpu.sync_copy(pos2_hbm, pos2_v)

    toks = (tok0, tok1)
    xs = (xa0, xa1)
    x2s = (xb0, xb1)
    gsem = (g0, g1)
    s1sem = (s1a, s1b)
    xsem = (sxa, sxb)
    x2sem = (s2a, s2b)

    def gather_copies(s, p):
        off = s * _L
        c0 = pltpu.make_async_copy(
            table_hbm.at[idx_all.at[pl.ds(off, _C0)]],
            toks[p].at[pl.ds(0, _C0)], gsem[p])
        c1 = pltpu.make_async_copy(
            table_hbm.at[idx_all.at[pl.ds(off + _C0, _C1)]],
            toks[p].at[pl.ds(_C0, _C1)], gsem[p])
        return c0, c1

    def issue_gather(s, p):
        for c in gather_copies(s, p):
            c.start()

    def wait_gather(s, p):
        for c in gather_copies(s, p):
            c.wait()

    issue_gather(0, 0)
    issue_gather(1, 1)

    def outer(i, carry):
        for p in range(2):
            s = i * 2 + p
            gbase = base_all + s * _L
            wait_gather(s, p)
            cp1 = pltpu.make_async_copy(
                toks[p], x1_hbm.at[pl.ds(gbase, _L)], s1sem[p])
            cp1.start()

            @pl.when(i > 0)
            def _wait_prev_writes():
                pltpu.make_async_copy(
                    xs[p], x_hbm.at[pl.ds(gbase, _L)], xsem[p]).wait()
                pltpu.make_async_copy(
                    x2s[p], x2_hbm.at[pl.ds(gbase, _L)], x2sem[p]).wait()

            def row_body(r, rc):
                for c in range(_D // 16):
                    sl = pl.ds(c * 16, 16)
                    t = toks[p][r, sl]
                    xs[p][r, sl] = t + pos2_v[r, sl]
                    x2s[p][r, sl] = t + pos2_v[_L + r, sl]
                return rc

            lax.fori_loop(0, _L, row_body, 0)
            pltpu.make_async_copy(
                xs[p], x_hbm.at[pl.ds(gbase, _L)], xsem[p]).start()
            pltpu.make_async_copy(
                x2s[p], x2_hbm.at[pl.ds(gbase, _L)], x2sem[p]).start()
            cp1.wait()

            @pl.when(i < (_SEQ_PER_W // 2 - 1))
            def _prefetch_next():
                issue_gather(s + 2, p)

        return carry

    lax.fori_loop(0, _SEQ_PER_W // 2, outer, 0)
    for p in range(2):
        pltpu.make_async_copy(
            xs[p], x_hbm.at[pl.ds(base_all, _L)], xsem[p]).wait()
        pltpu.make_async_copy(
            x2s[p], x2_hbm.at[pl.ds(base_all, _L)], x2sem[p]).wait()


def kernel(batch_seqs, token_table, pos_weight):
    idx = batch_seqs.reshape(-1).astype(jnp.int32)
    pos2 = jnp.concatenate([pos_weight, _pe01_table()], axis=0)
    x, x1, x2 = _emb_kernel(idx, token_table, pos2)
    shape = (_B, _L, _D)
    return x.reshape(shape), x1.reshape(shape), x2.reshape(shape)

# --- scband reference (transcript-rebuilt; emitter-appended) ---
"""Pipeline reference for scband-transformer-embedding-20615843020943 (READ-ONLY COPY).

The authoritative reference and input builder live on the scoring server;
editing this copy changes nothing except your own understanding.
"""

import jax, jax.numpy as jnp
import numpy as np

ITEM_NUM = 1000000
EMB_SIZE = 64
MAX_LEN = 200
BATCH = 1024


def _sinusoid_pe(max_len, d_model):
    position = jnp.arange(0, max_len, dtype=jnp.float32)[:, None]
    div_term = jnp.exp(jnp.arange(0, d_model, 2, dtype=jnp.float32) * -(np.log(10000.0) / d_model))
    pe = jnp.zeros((max_len, d_model), dtype=jnp.float32)
    pe = pe.at[:, 0::2].set(jnp.sin(position * div_term))
    pe = pe.at[:, 1::2].set(jnp.cos(position * div_term))
    return pe  # [max_len, d_model]


def setup_inputs(seed: int = 0) -> dict:
    key = jax.random.key(seed)
    k1, k2, k3 = jax.random.split(key, 3)
    batch_seqs = jax.random.randint(k1, (BATCH, MAX_LEN), 0, ITEM_NUM, dtype=jnp.int64 if jax.config.read('jax_enable_x64') else jnp.int32)
    # learned params (nn.Embedding default init ~ N(0,1))
    token_table = jax.random.normal(k2, (ITEM_NUM, EMB_SIZE), dtype=jnp.float32)
    pos_weight = jax.random.normal(k3, (MAX_LEN, EMB_SIZE), dtype=jnp.float32)
    return {"batch_seqs": batch_seqs, "token_table": token_table, "pos_weight": pos_weight}


def reference(batch_seqs, token_table, pos_weight):
    # eval mode: all dropouts are identity
    B, L = batch_seqs.shape
    d = token_table.shape[1]
    max_len = pos_weight.shape[0]
    # pos_emb = position_emb.weight.unsqueeze(0).repeat(B,1,1)
    pos_emb = jnp.broadcast_to(pos_weight[None, :, :], (B, max_len, d))
    # PositionalEncoding.forward(pos_emb): 0.01 * pe[:, :pos_emb.size(1)], then .repeat(B,1,1)
    pe = _sinusoid_pe(max_len, d)
    pos_emb_01 = jnp.broadcast_to(0.01 * pe[None, :max_len, :], (B, max_len, d))
    tok = jnp.take(token_table, batch_seqs, axis=0)  # [B, L, d] gather
    x = tok + pos_emb
    x1 = tok
    x2 = tok + pos_emb_01
    return (x, x1, x2)

if __name__ == "__main__":
    import jax
    _d = setup_inputs()
    print(jax.jit(kernel)(*tuple(_d.values())))

</pallas_src>

<mosaic_0001>
#map = affine_map<(d0, d1) -> (0)>
#map1 = affine_map<(d0, d1) -> (0, 0)>
module attributes {stable_mosaic.version = 14 : i64} {
  func.func @_emb_kernel(%arg0: i32, %arg1: i32, %arg2: memref<204800xi32, #tpu.memory_space<hbm>>, %arg3: memref<1000000x64xf32, #tpu.memory_space<hbm>>, %arg4: memref<400x64xf32, #tpu.memory_space<hbm>>, %arg5: memref<204800x64xf32, #tpu.memory_space<hbm>>, %arg6: memref<204800x64xf32, #tpu.memory_space<hbm>>, %arg7: memref<204800x64xf32, #tpu.memory_space<hbm>>, %arg8: memref<6400xi32, #tpu.memory_space<vmem>>, %arg9: memref<200x64xf32, #tpu.memory_space<vmem>>, %arg10: memref<200x64xf32, #tpu.memory_space<vmem>>, %arg11: memref<200x64xf32, #tpu.memory_space<vmem>>, %arg12: memref<200x64xf32, #tpu.memory_space<vmem>>, %arg13: memref<200x64xf32, #tpu.memory_space<vmem>>, %arg14: memref<200x64xf32, #tpu.memory_space<vmem>>, %arg15: memref<400x64xf32, #tpu.memory_space<vmem>>, %arg16: memref<!tpu.dma_semaphore, #tpu.memory_space<semaphore_mem>>, %arg17: memref<!tpu.dma_semaphore, #tpu.memory_space<semaphore_mem>>, %arg18: memref<!tpu.dma_semaphore, #tpu.memory_space<semaphore_mem>>, %arg19: memref<!tpu.dma_semaphore, #tpu.memory_space<semaphore_mem>>, %arg20: memref<!tpu.dma_semaphore, #tpu.memory_space<semaphore_mem>>, %arg21: memref<!tpu.dma_semaphore, #tpu.memory_space<semaphore_mem>>, %arg22: memref<!tpu.dma_semaphore, #tpu.memory_space<semaphore_mem>>, %arg23: memref<!tpu.dma_semaphore, #tpu.memory_space<semaphore_mem>>) attributes {dimension_semantics = [#tpu.dimension_semantics<core_parallel>, #tpu.dimension_semantics<subcore_parallel>], iteration_bounds = array<i64: 2, 16>, scalar_prefetch = 0 : i64, scratch_operands = 16 : i64, tpu.core_type = #tpu.core_type<sc_vector_subcore>, window_params = [{transform_indices = #map}, {transform_indices = #map1}, {transform_indices = #map1}, {transform_indices = #map1}, {transform_indices = #map1}, {transform_indices = #map1}]} {
    %mul3A = arith.constant 2 : i32
    %mul3A_0 = arith.muli %arg1, %mul3A : i32
    %add3A = arith.addi %mul3A_0, %arg0 : i32
    %mul3A_1 = arith.constant 6400 : i32
    %mul3A_2 = arith.muli %add3A, %mul3A_1 : i32
    "tpu.region"() ({
      %run_scoped3A = tpu.sem_alloc : memref<!tpu.dma_semaphore, #tpu.memory_space<semaphore_mem>>
      %dma_start3A_54 = tpu.memref_slice %arg2[%mul3A_2] : memref<204800xi32, #tpu.memory_space<hbm>> -> memref<6400xi32, #tpu.memory_space<hbm>>
      %dma_start3A_55 = tpu.memref_slice %arg2[%mul3A_2] : memref<204800xi32, #tpu.memory_space<hbm>> -> memref<6400xi32, #tpu.memory_space<hbm>>
      tpu.enqueue_dma source(%dma_start3A_55 : memref<6400xi32, #tpu.memory_space<hbm>>) target(%arg8 : memref<6400xi32, #tpu.memory_space<vmem>>) target_semaphore(%run_scoped3A : memref<!tpu.dma_semaphore, #tpu.memory_space<semaphore_mem>>)
      %dma_wait3A_56 = tpu.memref_slice %arg2[%mul3A_2] : memref<204800xi32, #tpu.memory_space<hbm>> -> memref<6400xi32, #tpu.memory_space<hbm>>
      %dma_wait3A_57 = tpu.memref_slice %arg2[%mul3A_2] : memref<204800xi32, #tpu.memory_space<hbm>> -> memref<6400xi32, #tpu.memory_space<hbm>>
      tpu.wait_dma2 semaphore(%run_scoped3A : memref<!tpu.dma_semaphore, #tpu.memory_space<semaphore_mem>>) src(%dma_wait3A_57 : memref<6400xi32, #tpu.memory_space<hbm>>) dst(%arg8 : memref<6400xi32, #tpu.memory_space<vmem>>)
      tpu.yield
    }) : () -> ()
    "tpu.region"() ({
      %run_scoped3A = tpu.sem_alloc : memref<!tpu.dma_semaphore, #tpu.memory_space<semaphore_mem>>
      tpu.enqueue_dma source(%arg4 : memref<400x64xf32, #tpu.memory_space<hbm>>) target(%arg15 : memref<400x64xf32, #tpu.memory_space<vmem>>) target_semaphore(%run_scoped3A : memref<!tpu.dma_semaphore, #tpu.memory_space<semaphore_mem>>)
      tpu.wait_dma2 semaphore(%run_scoped3A : memref<!tpu.dma_semaphore, #tpu.memory_space<semaphore_mem>>) src(%arg4 : memref<400x64xf32, #tpu.memory_space<hbm>>) dst(%arg15 : memref<400x64xf32, #tpu.memory_space<vmem>>)
      tpu.yield
    }) : () -> ()
    %dma_start3A = arith.constant 0 : i32
    %dma_start3A_3 = arith.constant 0 : i32
    %dma_start3A_4 = tpu.memref_slice %arg9[%dma_start3A, %dma_start3A_3] : memref<200x64xf32, #tpu.memory_space<vmem>> -> memref<104x64xf32, #tpu.memory_space<vmem>>
    %dma_start3A_5 = arith.constant 0 : i32
    %dma_start3A_6 = tpu.memref_slice %arg8[%dma_start3A_5] : memref<6400xi32, #tpu.memory_space<vmem>> -> memref<104xi32, #tpu.memory_space<vmem>>
    %dma_start3A_7 = arith.constant 0 : i32
    %dma_start3A_8 = arith.constant 0 : i32
    %dma_start3A_9 = tpu.memref_slice %arg3[%dma_start3A_7, %dma_start3A_8] : memref<1000000x64xf32, #tpu.memory_space<hbm>> -> memref<1000000x64xf32, #tpu.memory_space<hbm>>
    tpu.enqueue_indirect_dma source(%dma_start3A_9 : memref<1000000x64xf32, #tpu.memory_space<hbm>>) target(%dma_start3A_4 : memref<104x64xf32, #tpu.memory_space<vmem>>) offsets(%dma_start3A_6 : memref<104xi32, #tpu.memory_space<vmem>>) semaphore(%arg16 : memref<!tpu.dma_semaphore, #tpu.memory_space<semaphore_mem>>)
    %dma_start3A_10 = arith.constant 104 : i32
    %dma_start3A_11 = arith.constant 0 : i32
    %dma_start3A_12 = tpu.memref_slice %arg9[%dma_start3A_10, %dma_start3A_11] : memref<200x64xf32, #tpu.memory_space<vmem>> -> memref<96x64xf32, #tpu.memory_space<vmem>>
    %dma_start3A_13 = arith.constant 104 : i32
    %dma_start3A_14 = tpu.memref_slice %arg8[%dma_start3A_13] : memref<6400xi32, #tpu.memory_space<vmem>> -> memref<96xi32, #tpu.memory_space<vmem>>
    %dma_start3A_15 = arith.constant 0 : i32
    %dma_start3A_16 = arith.constant 0 : i32
    %dma_start3A_17 = tpu.memref_slice %arg3[%dma_start3A_15, %dma_start3A_16] : memref<1000000x64xf32, #tpu.memory_space<hbm>> -> memref<1000000x64xf32, #tpu.memory_space<hbm>>
    tpu.enqueue_indirect_dma source(%dma_start3A_17 : memref<1000000x64xf32, #tpu.memory_space<hbm>>) target(%dma_start3A_12 : memref<96x64xf32, #tpu.memory_space<vmem>>) offsets(%dma_start3A_14 : memref<96xi32, #tpu.memory_space<vmem>>) semaphore(%arg16 : memref<!tpu.dma_semaphore, #tpu.memory_space<semaphore_mem>>)
    %dma_start3A_18 = arith.constant 0 : i32
    %dma_start3A_19 = arith.constant 0 : i32
    %dma_start3A_20 = tpu.memref_slice %arg10[%dma_start3A_18, %dma_start3A_19] : memref<200x64xf32, #tpu.memory_space<vmem>> -> memref<104x64xf32, #tpu.memory_space<vmem>>
    %dma_start3A_21 = arith.constant 200 : i32
    %dma_start3A_22 = tpu.memref_slice %arg8[%dma_start3A_21] : memref<6400xi32, #tpu.memory_space<vmem>> -> memref<104xi32, #tpu.memory_space<vmem>>
    %dma_start3A_23 = arith.constant 0 : i32
    %dma_start3A_24 = arith.constant 0 : i32
    %dma_start3A_25 = tpu.memref_slice %arg3[%dma_start3A_23, %dma_start3A_24] : memref<1000000x64xf32, #tpu.memory_space<hbm>> -> memref<1000000x64xf32, #tpu.memory_space<hbm>>
    tpu.enqueue_indirect_dma source(%dma_start3A_25 : memref<1000000x64xf32, #tpu.memory_space<hbm>>) target(%dma_start3A_20 : memref<104x64xf32, #tpu.memory_space<vmem>>) offsets(%dma_start3A_22 : memref<104xi32, #tpu.memory_space<vmem>>) semaphore(%arg17 : memref<!tpu.dma_semaphore, #tpu.memory_space<semaphore_mem>>)
    %dma_start3A_26 = arith.constant 104 : i32
    %dma_start3A_27 = arith.constant 0 : i32
    %dma_start3A_28 = tpu.memref_slice %arg10[%dma_start3A_26, %dma_start3A_27] : memref<200x64xf32, #tpu.memory_space<vmem>> -> memref<96x64xf32, #tpu.memory_space<vmem>>
    %dma_start3A_29 = arith.constant 304 : i32
    %dma_start3A_30 = tpu.memref_slice %arg8[%dma_start3A_29] : memref<6400xi32, #tpu.memory_space<vmem>> -> memref<96xi32, #tpu.memory_space<vmem>>
    %dma_start3A_31 = arith.constant 0 : i32
    %dma_start3A_32 = arith.constant 0 : i32
    %dma_start3A_33 = tpu.memref_slice %arg3[%dma_start3A_31, %dma_start3A_32] : memref<1000000x64xf32, #tpu.memory_space<hbm>> -> memref<1000000x64xf32, #tpu.memory_space<hbm>>
    tpu.enqueue_indirect_dma source(%dma_start3A_33 : memref<1000000x64xf32, #tpu.memory_space<hbm>>) target(%dma_start3A_28 : memref<96x64xf32, #tpu.memory_space<vmem>>) offsets(%dma_start3A_30 : memref<96xi32, #tpu.memory_space<vmem>>) semaphore(%arg17 : memref<!tpu.dma_semaphore, #tpu.memory_space<semaphore_mem>>)
    %scan3A = arith.constant 0 : i32
    %scan3A_34 = arith.constant 0 : i32
    %scan3A_35 = arith.constant 16 : i32
    %scan3A_36 = arith.addi %scan3A_34, %scan3A_35 : i32
    %scan3A_37 = arith.constant 1 : i32
    scf.for %scan3A_54 = %scan3A_34 to %scan3A_36 step %scan3A_37  : i32 {
      %mul3A_55 = arith.constant 2 : i32
      %mul3A_56 = arith.muli %scan3A_54, %mul3A_55 : i32
      %add3A_57 = arith.constant 0 : i32
      %add3A_58 = arith.addi %mul3A_56, %add3A_57 : i32
      %mul3A_59 = arith.constant 200 : i32
      %mul3A_60 = arith.muli %add3A_58, %mul3A_59 : i32
      %add3A_61 = arith.addi %mul3A_2, %mul3A_60 : i32
      %mul3A_62 = arith.constant 200 : i32
      %mul3A_63 = arith.muli %add3A_58, %mul3A_62 : i32
      %add3A_64 = arith.constant 104 : i32
      %add3A_65 = arith.addi %mul3A_63, %add3A_64 : i32
      %dma_wait3A_66 = arith.constant 0 : i32
      %dma_wait3A_67 = arith.constant 0 : i32
      %dma_wait3A_68 = tpu.memref_slice %arg9[%dma_wait3A_66, %dma_wait3A_67] : memref<200x64xf32, #tpu.memory_space<vmem>> -> memref<104x64xf32, #tpu.memory_space<vmem>>
      %dma_wait3A_69 = tpu.memref_slice %arg8[%mul3A_63] : memref<6400xi32, #tpu.memory_space<vmem>> -> memref<104xi32, #tpu.memory_space<vmem>>
      %dma_wait3A_70 = arith.constant 0 : i32
      %dma_wait3A_71 = arith.constant 0 : i32
      %dma_wait3A_72 = tpu.memref_slice %arg3[%dma_wait3A_70, %dma_wait3A_71] : memref<1000000x64xf32, #tpu.memory_space<hbm>> -> memref<1000000x64xf32, #tpu.memory_space<hbm>>
      tpu.wait_indirect_dma semaphore(%arg16 : memref<!tpu.dma_semaphore, #tpu.memory_space<semaphore_mem>>) src(%dma_wait3A_72 : memref<1000000x64xf32, #tpu.memory_space<hbm>>) dst(%dma_wait3A_68 : memref<104x64xf32, #tpu.memory_space<vmem>>)
      %dma_wait3A_73 = arith.constant 104 : i32
      %dma_wait3A_74 = arith.constant 0 : i32
      %dma_wait3A_75 = tpu.memref_slice %arg9[%dma_wait3A_73, %dma_wait3A_74] : memref<200x64xf32, #tpu.memory_space<vmem>> -> memref<96x64xf32, #tpu.memory_space<vmem>>
      %dma_wait3A_76 = tpu.memref_slice %arg8[%add3A_65] : memref<6400xi32, #tpu.memory_space<vmem>> -> memref<96xi32, #tpu.memory_space<vmem>>
      %dma_wait3A_77 = arith.constant 0 : i32
      %dma_wait3A_78 = arith.constant 0 : i32
      %dma_wait3A_79 = tpu.memref_slice %arg3[%dma_wait3A_77, %dma_wait3A_78] : memref<1000000x64xf32, #tpu.memory_space<hbm>> -> memref<1000000x64xf32, #tpu.memory_space<hbm>>
      tpu.wait_indirect_dma semaphore(%arg16 : memref<!tpu.dma_semaphore, #tpu.memory_space<semaphore_mem>>) src(%dma_wait3A_79 : memref<1000000x64xf32, #tpu.memory_space<hbm>>) dst(%dma_wait3A_75 : memref<96x64xf32, #tpu.memory_space<vmem>>)
      %dma_start3A_80 = arith.constant 0 : i32
      %dma_start3A_81 = tpu.memref_slice %arg6[%add3A_61, %dma_start3A_80] : memref<204800x64xf32, #tpu.memory_space<hbm>> -> memref<200x64xf32, #tpu.memory_space<hbm>>
      %dma_start3A_82 = arith.constant 0 : i32
      %dma_start3A_83 = tpu.memref_slice %arg6[%add3A_61, %dma_start3A_82] : memref<204800x64xf32, #tpu.memory_space<hbm>> -> memref<200x64xf32, #tpu.memory_space<hbm>>
      tpu.enqueue_dma source(%arg9 : memref<200x64xf32, #tpu.memory_space<vmem>>) target(%dma_start3A_83 : memref<200x64xf32, #tpu.memory_space<hbm>>) target_semaphore(%arg18 : memref<!tpu.dma_semaphore, #tpu.memory_space<semaphore_mem>>)
      %gt3A = arith.constant 0 : i32
      %gt3A_84 = arith.cmpi sgt, %scan3A_54, %gt3A : i32
      %convert_element_type3A = arith.extui %gt3A_84 : i1 to i32
      %cond3A = arith.constant 0 : i32
      %cond3A_85 = arith.cmpi ne, %convert_element_type3A, %cond3A : i32
      scf.if %cond3A_85 {
        %dma_wait3A_165 = arith.constant 0 : i32
        %dma_wait3A_166 = tpu.memref_slice %arg5[%add3A_61, %dma_wait3A_165] : memref<204800x64xf32, #tpu.memory_space<hbm>> -> memref<200x64xf32, #tpu.memory_space<hbm>>
        %dma_wait3A_167 = arith.constant 0 : i32
        %dma_wait3A_168 = tpu.memref_slice %arg5[%add3A_61, %dma_wait3A_167] : memref<204800x64xf32, #tpu.memory_space<hbm>> -> memref<200x64xf32, #tpu.memory_space<hbm>>
        tpu.wait_dma2 semaphore(%arg20 : memref<!tpu.dma_semaphore, #tpu.memory_space<semaphore_mem>>) src(%arg11 : memref<200x64xf32, #tpu.memory_space<vmem>>) dst(%dma_wait3A_168 : memref<200x64xf32, #tpu.memory_space<hbm>>)
        %dma_wait3A_169 = arith.constant 0 : i32
        %dma_wait3A_170 = tpu.memref_slice %arg7[%add3A_61, %dma_wait3A_169] : memref<204800x64xf32, #tpu.memory_space<hbm>> -> memref<200x64xf32, #tpu.memory_space<hbm>>
        %dma_wait3A_171 = arith.constant 0 : i32
        %dma_wait3A_172 = tpu.memref_slice %arg7[%add3A_61, %dma_wait3A_171] : memref<204800x64xf32, #tpu.memory_space<hbm>> -> memref<200x64xf32, #tpu.memory_space<hbm>>
        tpu.wait_dma2 semaphore(%arg22 : memref<!tpu.dma_semaphore, #tpu.memory_space<semaphore_mem>>) src(%arg13 : memref<200x64xf32, #tpu.memory_space<vmem>>) dst(%dma_wait3A_172 : memref<200x64xf32, #tpu.memory_space<hbm>>)
      } else {
      }
      %scan3A_86 = arith.constant 0 : i32
      %scan3A_87 = arith.constant 0 : i32
      %scan3A_88 = arith.constant 200 : i32
      %scan3A_89 = arith.addi %scan3A_87, %scan3A_88 : i32
      %scan3A_90 = arith.constant 1 : i32
      scf.for %scan3A_165 = %scan3A_87 to %scan3A_89 step %scan3A_90  : i32 {
        %get3A = arith.index_cast %scan3A_165 : i32 to index
        %get3A_166 = arith.constant 0 : index
        %get3A_167 = tpu.vector_load %arg9[%get3A, %get3A_166] {strides = array<i32>} : memref<200x64xf32, #tpu.memory_space<vmem>>, vector<1x16xf32>,
        %get3A_168 = vector.shape_cast %get3A_167 : vector<1x16xf32> to vector<16xf32>
        %get3A_169 = arith.index_cast %scan3A_165 : i32 to index
        %get3A_170 = arith.constant 0 : index
        %get3A_171 = tpu.vector_load %arg15[%get3A_169, %get3A_170] {strides = array<i32>} : memref<400x64xf32, #tpu.memory_space<vmem>>, vector<1x16xf32>,
        %get3A_172 = vector.shape_cast %get3A_171 : vector<1x16xf32> to vector<16xf32>
        %add3A_173 = arith.addf %get3A_168, %get3A_172 : vector<16xf32>
        %swap3A = arith.index_cast %scan3A_165 : i32 to index
        %swap3A_174 = arith.constant 0 : index
        %swap3A_175 = tpu.vector_load %arg11[%swap3A, %swap3A_174] {strides = array<i32>} : memref<200x64xf32, #tpu.memory_space<vmem>>, vector<1x16xf32>,
        %swap3A_176 = vector.shape_cast %swap3A_175 : vector<1x16xf32> to vector<16xf32>
        %swap3A_177 = vector.shape_cast %add3A_173 : vector<16xf32> to vector<1x16xf32>
        tpu.vector_store %arg11[%swap3A, %swap3A_174], %swap3A_177 {strides = array<i32>} : memref<200x64xf32, #tpu.memory_space<vmem>>, vector<1x16xf32>,
        %add3A_178 = arith.constant 200 : i32
        %add3A_179 = arith.addi %add3A_178, %scan3A_165 : i32
        %get3A_180 = arith.index_cast %add3A_179 : i32 to index
        %get3A_181 = arith.constant 0 : index
        %get3A_182 = tpu.vector_load %arg15[%get3A_180, %get3A_181] {strides = array<i32>} : memref<400x64xf32, #tpu.memory_space<vmem>>, vector<1x16xf32>,
        %get3A_183 = vector.shape_cast %get3A_182 : vector<1x16xf32> to vector<16xf32>
        %add3A_184 = arith.addf %get3A_168, %get3A_183 : vector<16xf32>
        %swap3A_185 = arith.index_cast %scan3A_165 : i32 to index
        %swap3A_186 = arith.constant 0 : index
        %swap3A_187 = tpu.vector_load %arg13[%swap3A_185, %swap3A_186] {strides = array<i32>} : memref<200x64xf32, #tpu.memory_space<vmem>>, vector<1x16xf32>,
        %swap3A_188 = vector.shape_cast %swap3A_187 : vector<1x16xf32> to vector<16xf32>
        %swap3A_189 = vector.shape_cast %add3A_184 : vector<16xf32> to vector<1x16xf32>
        tpu.vector_store %arg13[%swap3A_185, %swap3A_186], %swap3A_189 {strides = array<i32>} : memref<200x64xf32, #tpu.memory_space<vmem>>, vector<1x16xf32>,
        %get3A_190 = arith.index_cast %scan3A_165 : i32 to index
        %get3A_191 = arith.constant 16 : index
        %get3A_192 = tpu.vector_load %arg9[%get3A_190, %get3A_191] {strides = array<i32>} : memref<200x64xf32, #tpu.memory_space<vmem>>, vector<1x16xf32>,
        %get3A_193 = vector.shape_cast %get3A_192 : vector<1x16xf32> to vector<16xf32>
        %get3A_194 = arith.index_cast %scan3A_165 : i32 to index
        %get3A_195 = arith.constant 16 : index
        %get3A_196 = tpu.vector_load %arg15[%get3A_194, %get3A_195] {strides = array<i32>} : memref<400x64xf32, #tpu.memory_space<vmem>>, vector<1x16xf32>,
        %get3A_197 = vector.shape_cast %get3A_196 : vector<1x16xf32> to vector<16xf32>
        %add3A_198 = arith.addf %get3A_193, %get3A_197 : vector<16xf32>
        %swap3A_199 = arith.index_cast %scan3A_165 : i32 to index
        %swap3A_200 = arith.constant 16 : index
        %swap3A_201 = tpu.vector_load %arg11[%swap3A_199, %swap3A_200] {strides = array<i32>} : memref<200x64xf32, #tpu.memory_space<vmem>>, vector<1x16xf32>,
        %swap3A_202 = vector.shape_cast %swap3A_201 : vector<1x16xf32> to vector<16xf32>
        %swap3A_203 = vector.shape_cast %add3A_198 : vector<16xf32> to vector<1x16xf32>
        tpu.vector_store %arg11[%swap3A_199, %swap3A_200], %swap3A_203 {strides = array<i32>} : memref<200x64xf32, #tpu.memory_space<vmem>>, vector<1x16xf32>,
        %add3A_204 = arith.constant 200 : i32
        %add3A_205 = arith.addi %add3A_204, %scan3A_165 : i32
        %get3A_206 = arith.index_cast %add3A_205 : i32 to index
        %get3A_207 = arith.constant 16 : index
        %get3A_208 = tpu.vector_load %arg15[%get3A_206, %get3A_207] {strides = array<i32>} : memref<400x64xf32, #tpu.memory_space<vmem>>, vector<1x16xf32>,
        %get3A_209 = vector.shape_cast %get3A_208 : vector<1x16xf32> to vector<16xf32>
        %add3A_210 = arith.addf %get3A_193, %get3A_209 : vector<16xf32>
        %swap3A_211 = arith.index_cast %scan3A_165 : i32 to index
        %swap3A_212 = arith.constant 16 : index
        %swap3A_213 = tpu.vector_load %arg13[%swap3A_211, %swap3A_212] {strides = array<i32>} : memref<200x64xf32, #tpu.memory_space<vmem>>, vector<1x16xf32>,
        %swap3A_214 = vector.shape_cast %swap3A_213 : vector<1x16xf32> to vector<16xf32>
        %swap3A_215 = vector.shape_cast %add3A_210 : vector<16xf32> to vector<1x16xf32>
        tpu.vector_store %arg13[%swap3A_211, %swap3A_212], %swap3A_215 {strides = array<i32>} : memref<200x64xf32, #tpu.memory_space<vmem>>, vector<1x16xf32>,
        %get3A_216 = arith.index_cast %scan3A_165 : i32 to index
        %get3A_217 = arith.constant 32 : index
        %get3A_218 = tpu.vector_load %arg9[%get3A_216, %get3A_217] {strides = array<i32>} : memref<200x64xf32, #tpu.memory_space<vmem>>, vector<1x16xf32>,
        %get3A_219 = vector.shape_cast %get3A_218 : vector<1x16xf32> to vector<16xf32>
        %get3A_220 = arith.index_cast %scan3A_165 : i32 to index
        %get3A_221 = arith.constant 32 : index
        %get3A_222 = tpu.vector_load %arg15[%get3A_220, %get3A_221] {strides = array<i32>} : memref<400x64xf32, #tpu.memory_space<vmem>>, vector<1x16xf32>,
        %get3A_223 = vector.shape_cast %get3A_222 : vector<1x16xf32> to vector<16xf32>
        %add3A_224 = arith.addf %get3A_219, %get3A_223 : vector<16xf32>
        %swap3A_225 = arith.index_cast %scan3A_165 : i32 to index
        %swap3A_226 = arith.constant 32 : index
        %swap3A_227 = tpu.vector_load %arg11[%swap3A_225, %swap3A_226] {strides = array<i32>} : memref<200x64xf32, #tpu.memory_space<vmem>>, vector<1x16xf32>,
        %swap3A_228 = vector.shape_cast %swap3A_227 : vector<1x16xf32> to vector<16xf32>
        %swap3A_229 = vector.shape_cast %add3A_224 : vector<16xf32> to vector<1x16xf32>
        tpu.vector_store %arg11[%swap3A_225, %swap3A_226], %swap3A_229 {strides = array<i32>} : memref<200x64xf32, #tpu.memory_space<vmem>>, vector<1x16xf32>,
        %add3A_230 = arith.constant 200 : i32
        %add3A_231 = arith.addi %add3A_230, %scan3A_165 : i32
        %get3A_232 = arith.index_cast %add3A_231 : i32 to index
        %get3A_233 = arith.constant 32 : index
        %get3A_234 = tpu.vector_load %arg15[%get3A_232, %get3A_233] {strides = array<i32>} : memref<400x64xf32, #tpu.memory_space<vmem>>, vector<1x16xf32>,
        %get3A_235 = vector.shape_cast %get3A_234 : vector<1x16xf32> to vector<16xf32>
        %add3A_236 = arith.addf %get3A_219, %get3A_235 : vector<16xf32>
        %swap3A_237 = arith.index_cast %scan3A_165 : i32 to index
        %swap3A_238 = arith.constant 32 : index
        %swap3A_239 = tpu.vector_load %arg13[%swap3A_237, %swap3A_238] {strides = array<i32>} : memref<200x64xf32, #tpu.memory_space<vmem>>, vector<1x16xf32>,
        %swap3A_240 = vector.shape_cast %swap3A_239 : vector<1x16xf32> to vector<16xf32>
        %swap3A_241 = vector.shape_cast %add3A_236 : vector<16xf32> to vector<1x16xf32>
        tpu.vector_store %arg13[%swap3A_237, %swap3A_238], %swap3A_241 {strides = array<i32>} : memref<200x64xf32, #tpu.memory_space<vmem>>, vector<1x16xf32>,
        %get3A_242 = arith.index_cast %scan3A_165 : i32 to index
        %get3A_243 = arith.constant 48 : index
        %get3A_244 = tpu.vector_load %arg9[%get3A_242, %get3A_243] {strides = array<i32>} : memref<200x64xf32, #tpu.memory_space<vmem>>, vector<1x16xf32>,
        %get3A_245 = vector.shape_cast %get3A_244 : vector<1x16xf32> to vector<16xf32>
        %get3A_246 = arith.index_cast %scan3A_165 : i32 to index
        %get3A_247 = arith.constant 48 : index
        %get3A_248 = tpu.vector_load %arg15[%get3A_246, %get3A_247] {strides = array<i32>} : memref<400x64xf32, #tpu.memory_space<vmem>>, vector<1x16xf32>,
        %get3A_249 = vector.shape_cast %get3A_248 : vector<1x16xf32> to vector<16xf32>
        %add3A_250 = arith.addf %get3A_245, %get3A_249 : vector<16xf32>
        %swap3A_251 = arith.index_cast %scan3A_165 : i32 to index
        %swap3A_252 = arith.constant 48 : index
        %swap3A_253 = tpu.vector_load %arg11[%swap3A_251, %swap3A_252] {strides = array<i32>} : memref<200x64xf32, #tpu.memory_space<vmem>>, vector<1x16xf32>,
        %swap3A_254 = vector.shape_cast %swap3A_253 : vector<1x16xf32> to vector<16xf32>
        %swap3A_255 = vector.shape_cast %add3A_250 : vector<16xf32> to vector<1x16xf32>
        tpu.vector_store %arg11[%swap3A_251, %swap3A_252], %swap3A_255 {strides = array<i32>} : memref<200x64xf32, #tpu.memory_space<vmem>>, vector<1x16xf32>,
        %add3A_256 = arith.constant 200 : i32
        %add3A_257 = arith.addi %add3A_256, %scan3A_165 : i32
        %get3A_258 = arith.index_cast %add3A_257 : i32 to index
        %get3A_259 = arith.constant 48 : index
        %get3A_260 = tpu.vector_load %arg15[%get3A_258, %get3A_259] {strides = array<i32>} : memref<400x64xf32, #tpu.memory_space<vmem>>, vector<1x16xf32>,
        %get3A_261 = vector.shape_cast %get3A_260 : vector<1x16xf32> to vector<16xf32>
        %add3A_262 = arith.addf %get3A_245, %get3A_261 : vector<16xf32>
        %swap3A_263 = arith.index_cast %scan3A_165 : i32 to index
        %swap3A_264 = arith.constant 48 : index
        %swap3A_265 = tpu.vector_load %arg13[%swap3A_263, %swap3A_264] {strides = array<i32>} : memref<200x64xf32, #tpu.memory_space<vmem>>, vector<1x16xf32>,
        %swap3A_266 = vector.shape_cast %swap3A_265 : vector<1x16xf32> to vector<16xf32>
        %swap3A_267 = vector.shape_cast %add3A_262 : vector<16xf32> to vector<1x16xf32>
        tpu.vector_store %arg13[%swap3A_263, %swap3A_264], %swap3A_267 {strides = array<i32>} : memref<200x64xf32, #tpu.memory_space<vmem>>, vector<1x16xf32>,
      }
      %scan3A_91 = arith.constant 200 : i32
      %dma_start3A_92 = arith.constant 0 : i32
      %dma_start3A_93 = tpu.memref_slice %arg5[%add3A_61, %dma_start3A_92] : memref<204800x64xf32, #tpu.memory_space<hbm>> -> memref<200x64xf32, #tpu.memory_space<hbm>>
      %dma_start3A_94 = arith.constant 0 : i32
      %dma_start3A_95 = tpu.memref_slice %arg5[%add3A_61, %dma_start3A_94] : memref<204800x64xf32, #tpu.memory_space<hbm>> -> memref<200x64xf32, #tpu.memory_space<hbm>>
      tpu.enqueue_dma source(%arg11 : memref<200x64xf32, #tpu.memory_space<vmem>>) target(%dma_start3A_95 : memref<200x64xf32, #tpu.memory_space<hbm>>) target_semaphore(%arg20 : memref<!tpu.dma_semaphore, #tpu.memory_space<semaphore_mem>>)
      %dma_start3A_96 = arith.constant 0 : i32
      %dma_start3A_97 = tpu.memref_slice %arg7[%add3A_61, %dma_start3A_96] : memref<204800x64xf32, #tpu.memory_space<hbm>> -> memref<200x64xf32, #tpu.memory_space<hbm>>
      %dma_start3A_98 = arith.constant 0 : i32
      %dma_start3A_99 = tpu.memref_slice %arg7[%add3A_61, %dma_start3A_98] : memref<204800x64xf32, #tpu.memory_space<hbm>> -> memref<200x64xf32, #tpu.memory_space<hbm>>
      tpu.enqueue_dma source(%arg13 : memref<200x64xf32, #tpu.memory_space<vmem>>) target(%dma_start3A_99 : memref<200x64xf32, #tpu.memory_space<hbm>>) target_semaphore(%arg22 : memref<!tpu.dma_semaphore, #tpu.memory_space<semaphore_mem>>)
      %dma_wait3A_100 = arith.constant 0 : i32
      %dma_wait3A_101 = tpu.memref_slice %arg6[%add3A_61, %dma_wait3A_100] : memref<204800x64xf32, #tpu.memory_space<hbm>> -> memref<200x64xf32, #tpu.memory_space<hbm>>
      %dma_wait3A_102 = arith.constant 0 : i32
      %dma_wait3A_103 = tpu.memref_slice %arg6[%add3A_61, %dma_wait3A_102] : memref<204800x64xf32, #tpu.memory_space<hbm>> -> memref<200x64xf32, #tpu.memory_space<hbm>>
      tpu.wait_dma2 semaphore(%arg18 : memref<!tpu.dma_semaphore, #tpu.memory_space<semaphore_mem>>) src(%arg9 : memref<200x64xf32, #tpu.memory_space<vmem>>) dst(%dma_wait3A_103 : memref<200x64xf32, #tpu.memory_space<hbm>>)
      %lt3A = arith.constant 15 : i32
      %lt3A_104 = arith.cmpi slt, %scan3A_54, %lt3A : i32
      %convert_element_type3A_105 = arith.extui %lt3A_104 : i1 to i32
      %cond3A_106 = arith.constant 0 : i32
      %cond3A_107 = arith.cmpi ne, %convert_element_type3A_105, %cond3A_106 : i32
      scf.if %cond3A_107 {
        %add3A_165 = arith.constant 2 : i32
        %add3A_166 = arith.addi %add3A_58, %add3A_165 : i32
        %mul3A_167 = arith.constant 200 : i32
        %mul3A_168 = arith.muli %add3A_166, %mul3A_167 : i32
        %add3A_169 = arith.constant 104 : i32
        %add3A_170 = arith.addi %mul3A_168, %add3A_169 : i32
        %dma_start3A_171 = arith.constant 0 : i32
        %dma_start3A_172 = arith.constant 0 : i32
        %dma_start3A_173 = tpu.memref_slice %arg9[%dma_start3A_171, %dma_start3A_172] : memref<200x64xf32, #tpu.memory_space<vmem>> -> memref<104x64xf32, #tpu.memory_space<vmem>>
        %dma_start3A_174 = tpu.memref_slice %arg8[%mul3A_168] : memref<6400xi32, #tpu.memory_space<vmem>> -> memref<104xi32, #tpu.memory_space<vmem>>
        %dma_start3A_175 = arith.constant 0 : i32
        %dma_start3A_176 = arith.constant 0 : i32
        %dma_start3A_177 = tpu.memref_slice %arg3[%dma_start3A_175, %dma_start3A_176] : memref<1000000x64xf32, #tpu.memory_space<hbm>> -> memref<1000000x64xf32, #tpu.memory_space<hbm>>
        tpu.enqueue_indirect_dma source(%dma_start3A_177 : memref<1000000x64xf32, #tpu.memory_space<hbm>>) target(%dma_start3A_173 : memref<104x64xf32, #tpu.memory_space<vmem>>) offsets(%dma_start3A_174 : memref<104xi32, #tpu.memory_space<vmem>>) semaphore(%arg16 : memref<!tpu.dma_semaphore, #tpu.memory_space<semaphore_mem>>)
        %dma_start3A_178 = arith.constant 104 : i32
        %dma_start3A_179 = arith.constant 0 : i32
        %dma_start3A_180 = tpu.memref_slice %arg9[%dma_start3A_178, %dma_start3A_179] : memref<200x64xf32, #tpu.memory_space<vmem>> -> memref<96x64xf32, #tpu.memory_space<vmem>>
        %dma_start3A_181 = tpu.memref_slice %arg8[%add3A_170] : memref<6400xi32, #tpu.memory_space<vmem>> -> memref<96xi32, #tpu.memory_space<vmem>>
        %dma_start3A_182 = arith.constant 0 : i32
        %dma_start3A_183 = arith.constant 0 : i32
        %dma_start3A_184 = tpu.memref_slice %arg3[%dma_start3A_182, %dma_start3A_183] : memref<1000000x64xf32, #tpu.memory_space<hbm>> -> memref<1000000x64xf32, #tpu.memory_space<hbm>>
        tpu.enqueue_indirect_dma source(%dma_start3A_184 : memref<1000000x64xf32, #tpu.memory_space<hbm>>) target(%dma_start3A_180 : memref<96x64xf32, #tpu.memory_space<vmem>>) offsets(%dma_start3A_181 : memref<96xi32, #tpu.memory_space<vmem>>) semaphore(%arg16 : memref<!tpu.dma_semaphore, #tpu.memory_space<semaphore_mem>>)
      } else {
      }
      %mul3A_108 = arith.constant 2 : i32
      %mul3A_109 = arith.muli %scan3A_54, %mul3A_108 : i32
      %add3A_110 = arith.constant 1 : i32
      %add3A_111 = arith.addi %mul3A_109, %add3A_110 : i32
      %mul3A_112 = arith.constant 200 : i32
      %mul3A_113 = arith.muli %add3A_111, %mul3A_112 : i32
      %add3A_114 = arith.addi %mul3A_2, %mul3A_113 : i32
      %mul3A_115 = arith.constant 200 : i32
      %mul3A_116 = arith.muli %add3A_111, %mul3A_115 : i32
      %add3A_117 = arith.constant 104 : i32
      %add3A_118 = arith.addi %mul3A_116, %add3A_117 : i32
      %dma_wait3A_119 = arith.constant 0 : i32
      %dma_wait3A_120 = arith.constant 0 : i32
      %dma_wait3A_121 = tpu.memref_slice %arg10[%dma_wait3A_119, %dma_wait3A_120] : memref<200x64xf32, #tpu.memory_space<vmem>> -> memref<104x64xf32, #tpu.memory_space<vmem>>
      %dma_wait3A_122 = tpu.memref_slice %arg8[%mul3A_116] : memref<6400xi32, #tpu.memory_space<vmem>> -> memref<104xi32, #tpu.memory_space<vmem>>
      %dma_wait3A_123 = arith.constant 0 : i32
      %dma_wait3A_124 = arith.constant 0 : i32
      %dma_wait3A_125 = tpu.memref_slice %arg3[%dma_wait3A_123, %dma_wait3A_124] : memref<1000000x64xf32, #tpu.memory_space<hbm>> -> memref<1000000x64xf32, #tpu.memory_space<hbm>>
      tpu.wait_indirect_dma semaphore(%arg17 : memref<!tpu.dma_semaphore, #tpu.memory_space<semaphore_mem>>) src(%dma_wait3A_125 : memref<1000000x64xf32, #tpu.memory_space<hbm>>) dst(%dma_wait3A_121 : memref<104x64xf32, #tpu.memory_space<vmem>>)
      %dma_wait3A_126 = arith.constant 104 : i32
      %dma_wait3A_127 = arith.constant 0 : i32
      %dma_wait3A_128 = tpu.memref_slice %arg10[%dma_wait3A_126, %dma_wait3A_127] : memref<200x64xf32, #tpu.memory_space<vmem>> -> memref<96x64xf32, #tpu.memory_space<vmem>>
      %dma_wait3A_129 = tpu.memref_slice %arg8[%add3A_118] : memref<6400xi32, #tpu.memory_space<vmem>> -> memref<96xi32, #tpu.memory_space<vmem>>
      %dma_wait3A_130 = arith.constant 0 : i32
      %dma_wait3A_131 = arith.constant 0 : i32
      %dma_wait3A_132 = tpu.memref_slice %arg3[%dma_wait3A_130, %dma_wait3A_131] : memref<1000000x64xf32, #tpu.memory_space<hbm>> -> memref<1000000x64xf32, #tpu.memory_space<hbm>>
      tpu.wait_indirect_dma semaphore(%arg17 : memref<!tpu.dma_semaphore, #tpu.memory_space<semaphore_mem>>) src(%dma_wait3A_132 : memref<1000000x64xf32, #tpu.memory_space<hbm>>) dst(%dma_wait3A_128 : memref<96x64xf32, #tpu.memory_space<vmem>>)
      %dma_start3A_133 = arith.constant 0 : i32
      %dma_start3A_134 = tpu.memref_slice %arg6[%add3A_114, %dma_start3A_133] : memref<204800x64xf32, #tpu.memory_space<hbm>> -> memref<200x64xf32, #tpu.memory_space<hbm>>
      %dma_start3A_135 = arith.constant 0 : i32
      %dma_start3A_136 = tpu.memref_slice %arg6[%add3A_114, %dma_start3A_135] : memref<204800x64xf32, #tpu.memory_space<hbm>> -> memref<200x64xf32, #tpu.memory_space<hbm>>
      tpu.enqueue_dma source(%arg10 : memref<200x64xf32, #tpu.memory_space<vmem>>) target(%dma_start3A_136 : memref<200x64xf32, #tpu.memory_space<hbm>>) target_semaphore(%arg19 : memref<!tpu.dma_semaphore, #tpu.memory_space<semaphore_mem>>)
      %gt3A_137 = arith.constant 0 : i32
      %gt3A_138 = arith.cmpi sgt, %scan3A_54, %gt3A_137 : i32
      %convert_element_type3A_139 = arith.extui %gt3A_138 : i1 to i32
      %cond3A_140 = arith.constant 0 : i32
      %cond3A_141 = arith.cmpi ne, %convert_element_type3A_139, %cond3A_140 : i32
      scf.if %cond3A_141 {
        %dma_wait3A_165 = arith.constant 0 : i32
        %dma_wait3A_166 = tpu.memref_slice %arg5[%add3A_114, %dma_wait3A_165] : memref<204800x64xf32, #tpu.memory_space<hbm>> -> memref<200x64xf32, #tpu.memory_space<hbm>>
        %dma_wait3A_167 = arith.constant 0 : i32
        %dma_wait3A_168 = tpu.memref_slice %arg5[%add3A_114, %dma_wait3A_167] : memref<204800x64xf32, #tpu.memory_space<hbm>> -> memref<200x64xf32, #tpu.memory_space<hbm>>
        tpu.wait_dma2 semaphore(%arg21 : memref<!tpu.dma_semaphore, #tpu.memory_space<semaphore_mem>>) src(%arg12 : memref<200x64xf32, #tpu.memory_space<vmem>>) dst(%dma_wait3A_168 : memref<200x64xf32, #tpu.memory_space<hbm>>)
        %dma_wait3A_169 = arith.constant 0 : i32
        %dma_wait3A_170 = tpu.memref_slice %arg7[%add3A_114, %dma_wait3A_169] : memref<204800x64xf32, #tpu.memory_space<hbm>> -> memref<200x64xf32, #tpu.memory_space<hbm>>
        %dma_wait3A_171 = arith.constant 0 : i32
        %dma_wait3A_172 = tpu.memref_slice %arg7[%add3A_114, %dma_wait3A_171] : memref<204800x64xf32, #tpu.memory_space<hbm>> -> memref<200x64xf32, #tpu.memory_space<hbm>>
        tpu.wait_dma2 semaphore(%arg23 : memref<!tpu.dma_semaphore, #tpu.memory_space<semaphore_mem>>) src(%arg14 : memref<200x64xf32, #tpu.memory_space<vmem>>) dst(%dma_wait3A_172 : memref<200x64xf32, #tpu.memory_space<hbm>>)
      } else {
      }
      %scan3A_142 = arith.constant 0 : i32
      %scan3A_143 = arith.constant 0 : i32
      %scan3A_144 = arith.constant 200 : i32
      %scan3A_145 = arith.addi %scan3A_143, %scan3A_144 : i32
      %scan3A_146 = arith.constant 1 : i32
      scf.for %scan3A_165 = %scan3A_143 to %scan3A_145 step %scan3A_146  : i32 {
        %get3A = arith.index_cast %scan3A_165 : i32 to index
        %get3A_166 = arith.constant 0 : index
        %get3A_167 = tpu.vector_load %arg10[%get3A, %get3A_166] {strides = array<i32>} : memref<200x64xf32, #tpu.memory_space<vmem>>, vector<1x16xf32>,
        %get3A_168 = vector.shape_cast %get3A_167 : vector<1x16xf32> to vector<16xf32>
        %get3A_169 = arith.index_cast %scan3A_165 : i32 to index
        %get3A_170 = arith.constant 0 : index
        %get3A_171 = tpu.vector_load %arg15[%get3A_169, %get3A_170] {strides = array<i32>} : memref<400x64xf32, #tpu.memory_space<vmem>>, vector<1x16xf32>,
        %get3A_172 = vector.shape_cast %get3A_171 : vector<1x16xf32> to vector<16xf32>
        %add3A_173 = arith.addf %get3A_168, %get3A_172 : vector<16xf32>
        %swap3A = arith.index_cast %scan3A_165 : i32 to index
        %swap3A_174 = arith.constant 0 : index
        %swap3A_175 = tpu.vector_load %arg12[%swap3A, %swap3A_174] {strides = array<i32>} : memref<200x64xf32, #tpu.memory_space<vmem>>, vector<1x16xf32>,
        %swap3A_176 = vector.shape_cast %swap3A_175 : vector<1x16xf32> to vector<16xf32>
        %swap3A_177 = vector.shape_cast %add3A_173 : vector<16xf32> to vector<1x16xf32>
        tpu.vector_store %arg12[%swap3A, %swap3A_174], %swap3A_177 {strides = array<i32>} : memref<200x64xf32, #tpu.memory_space<vmem>>, vector<1x16xf32>,
        %add3A_178 = arith.constant 200 : i32
        %add3A_179 = arith.addi %add3A_178, %scan3A_165 : i32
        %get3A_180 = arith.index_cast %add3A_179 : i32 to index
        %get3A_181 = arith.constant 0 : index
        %get3A_182 = tpu.vector_load %arg15[%get3A_180, %get3A_181] {strides = array<i32>} : memref<400x64xf32, #tpu.memory_space<vmem>>, vector<1x16xf32>,
        %get3A_183 = vector.shape_cast %get3A_182 : vector<1x16xf32> to vector<16xf32>
        %add3A_184 = arith.addf %get3A_168, %get3A_183 : vector<16xf32>
        %swap3A_185 = arith.index_cast %scan3A_165 : i32 to index
        %swap3A_186 = arith.constant 0 : index
        %swap3A_187 = tpu.vector_load %arg14[%swap3A_185, %swap3A_186] {strides = array<i32>} : memref<200x64xf32, #tpu.memory_space<vmem>>, vector<1x16xf32>,
        %swap3A_188 = vector.shape_cast %swap3A_187 : vector<1x16xf32> to vector<16xf32>
        %swap3A_189 = vector.shape_cast %add3A_184 : vector<16xf32> to vector<1x16xf32>
        tpu.vector_store %arg14[%swap3A_185, %swap3A_186], %swap3A_189 {strides = array<i32>} : memref<200x64xf32, #tpu.memory_space<vmem>>, vector<1x16xf32>,
        %get3A_190 = arith.index_cast %scan3A_165 : i32 to index
        %get3A_191 = arith.constant 16 : index
        %get3A_192 = tpu.vector_load %arg10[%get3A_190, %get3A_191] {strides = array<i32>} : memref<200x64xf32, #tpu.memory_space<vmem>>, vector<1x16xf32>,
        %get3A_193 = vector.shape_cast %get3A_192 : vector<1x16xf32> to vector<16xf32>
        %get3A_194 = arith.index_cast %scan3A_165 : i32 to index
        %get3A_195 = arith.constant 16 : index
        %get3A_196 = tpu.vector_load %arg15[%get3A_194, %get3A_195] {strides = array<i32>} : memref<400x64xf32, #tpu.memory_space<vmem>>, vector<1x16xf32>,
        %get3A_197 = vector.shape_cast %get3A_196 : vector<1x16xf32> to vector<16xf32>
        %add3A_198 = arith.addf %get3A_193, %get3A_197 : vector<16xf32>
        %swap3A_199 = arith.index_cast %scan3A_165 : i32 to index
        %swap3A_200 = arith.constant 16 : index
        %swap3A_201 = tpu.vector_load %arg12[%swap3A_199, %swap3A_200] {strides = array<i32>} : memref<200x64xf32, #tpu.memory_space<vmem>>, vector<1x16xf32>,
        %swap3A_202 = vector.shape_cast %swap3A_201 : vector<1x16xf32> to vector<16xf32>
        %swap3A_203 = vector.shape_cast %add3A_198 : vector<16xf32> to vector<1x16xf32>
        tpu.vector_store %arg12[%swap3A_199, %swap3A_200], %swap3A_203 {strides = array<i32>} : memref<200x64xf32, #tpu.memory_space<vmem>>, vector<1x16xf32>,
        %add3A_204 = arith.constant 200 : i32
        %add3A_205 = arith.addi %add3A_204, %scan3A_165 : i32
        %get3A_206 = arith.index_cast %add3A_205 : i32 to index
        %get3A_207 = arith.constant 16 : index
        %get3A_208 = tpu.vector_load %arg15[%get3A_206, %get3A_207] {strides = array<i32>} : memref<400x64xf32, #tpu.memory_space<vmem>>, vector<1x16xf32>,
        %get3A_209 = vector.shape_cast %get3A_208 : vector<1x16xf32> to vector<16xf32>
        %add3A_210 = arith.addf %get3A_193, %get3A_209 : vector<16xf32>
        %swap3A_211 = arith.index_cast %scan3A_165 : i32 to index
        %swap3A_212 = arith.constant 16 : index
        %swap3A_213 = tpu.vector_load %arg14[%swap3A_211, %swap3A_212] {strides = array<i32>} : memref<200x64xf32, #tpu.memory_space<vmem>>, vector<1x16xf32>,
        %swap3A_214 = vector.shape_cast %swap3A_213 : vector<1x16xf32> to vector<16xf32>
        %swap3A_215 = vector.shape_cast %add3A_210 : vector<16xf32> to vector<1x16xf32>
        tpu.vector_store %arg14[%swap3A_211, %swap3A_212], %swap3A_215 {strides = array<i32>} : memref<200x64xf32, #tpu.memory_space<vmem>>, vector<1x16xf32>,
        %get3A_216 = arith.index_cast %scan3A_165 : i32 to index
        %get3A_217 = arith.constant 32 : index
        %get3A_218 = tpu.vector_load %arg10[%get3A_216, %get3A_217] {strides = array<i32>} : memref<200x64xf32, #tpu.memory_space<vmem>>, vector<1x16xf32>,
        %get3A_219 = vector.shape_cast %get3A_218 : vector<1x16xf32> to vector<16xf32>
        %get3A_220 = arith.index_cast %scan3A_165 : i32 to index
        %get3A_221 = arith.constant 32 : index
        %get3A_222 = tpu.vector_load %arg15[%get3A_220, %get3A_221] {strides = array<i32>} : memref<400x64xf32, #tpu.memory_space<vmem>>, vector<1x16xf32>,
        %get3A_223 = vector.shape_cast %get3A_222 : vector<1x16xf32> to vector<16xf32>
        %add3A_224 = arith.addf %get3A_219, %get3A_223 : vector<16xf32>
        %swap3A_225 = arith.index_cast %scan3A_165 : i32 to index
        %swap3A_226 = arith.constant 32 : index
        %swap3A_227 = tpu.vector_load %arg12[%swap3A_225, %swap3A_226] {strides = array<i32>} : memref<200x64xf32, #tpu.memory_space<vmem>>, vector<1x16xf32>,
        %swap3A_228 = vector.shape_cast %swap3A_227 : vector<1x16xf32> to vector<16xf32>
        %swap3A_229 = vector.shape_cast %add3A_224 : vector<16xf32> to vector<1x16xf32>
        tpu.vector_store %arg12[%swap3A_225, %swap3A_226], %swap3A_229 {strides = array<i32>} : memref<200x64xf32, #tpu.memory_space<vmem>>, vector<1x16xf32>,
        %add3A_230 = arith.constant 200 : i32
        %add3A_231 = arith.addi %add3A_230, %scan3A_165 : i32
        %get3A_232 = arith.index_cast %add3A_231 : i32 to index
        %get3A_233 = arith.constant 32 : index
        %get3A_234 = tpu.vector_load %arg15[%get3A_232, %get3A_233] {strides = array<i32>} : memref<400x64xf32, #tpu.memory_space<vmem>>, vector<1x16xf32>,
        %get3A_235 = vector.shape_cast %get3A_234 : vector<1x16xf32> to vector<16xf32>
        %add3A_236 = arith.addf %get3A_219, %get3A_235 : vector<16xf32>
        %swap3A_237 = arith.index_cast %scan3A_165 : i32 to index
        %swap3A_238 = arith.constant 32 : index
        %swap3A_239 = tpu.vector_load %arg14[%swap3A_237, %swap3A_238] {strides = array<i32>} : memref<200x64xf32, #tpu.memory_space<vmem>>, vector<1x16xf32>,
        %swap3A_240 = vector.shape_cast %swap3A_239 : vector<1x16xf32> to vector<16xf32>
        %swap3A_241 = vector.shape_cast %add3A_236 : vector<16xf32> to vector<1x16xf32>
        tpu.vector_store %arg14[%swap3A_237, %swap3A_238], %swap3A_241 {strides = array<i32>} : memref<200x64xf32, #tpu.memory_space<vmem>>, vector<1x16xf32>,
        %get3A_242 = arith.index_cast %scan3A_165 : i32 to index
        %get3A_243 = arith.constant 48 : index
        %get3A_244 = tpu.vector_load %arg10[%get3A_242, %get3A_243] {strides = array<i32>} : memref<200x64xf32, #tpu.memory_space<vmem>>, vector<1x16xf32>,
        %get3A_245 = vector.shape_cast %get3A_244 : vector<1x16xf32> to vector<16xf32>
        %get3A_246 = arith.index_cast %scan3A_165 : i32 to index
        %get3A_247 = arith.constant 48 : index
        %get3A_248 = tpu.vector_load %arg15[%get3A_246, %get3A_247] {strides = array<i32>} : memref<400x64xf32, #tpu.memory_space<vmem>>, vector<1x16xf32>,
        %get3A_249 = vector.shape_cast %get3A_248 : vector<1x16xf32> to vector<16xf32>
        %add3A_250 = arith.addf %get3A_245, %get3A_249 : vector<16xf32>
        %swap3A_251 = arith.index_cast %scan3A_165 : i32 to index
        %swap3A_252 = arith.constant 48 : index
        %swap3A_253 = tpu.vector_load %arg12[%swap3A_251, %swap3A_252] {strides = array<i32>} : memref<200x64xf32, #tpu.memory_space<vmem>>, vector<1x16xf32>,
        %swap3A_254 = vector.shape_cast %swap3A_253 : vector<1x16xf32> to vector<16xf32>
        %swap3A_255 = vector.shape_cast %add3A_250 : vector<16xf32> to vector<1x16xf32>
        tpu.vector_store %arg12[%swap3A_251, %swap3A_252], %swap3A_255 {strides = array<i32>} : memref<200x64xf32, #tpu.memory_space<vmem>>, vector<1x16xf32>,
        %add3A_256 = arith.constant 200 : i32
        %add3A_257 = arith.addi %add3A_256, %scan3A_165 : i32
        %get3A_258 = arith.index_cast %add3A_257 : i32 to index
        %get3A_259 = arith.constant 48 : index
        %get3A_260 = tpu.vector_load %arg15[%get3A_258, %get3A_259] {strides = array<i32>} : memref<400x64xf32, #tpu.memory_space<vmem>>, vector<1x16xf32>,
        %get3A_261 = vector.shape_cast %get3A_260 : vector<1x16xf32> to vector<16xf32>
        %add3A_262 = arith.addf %get3A_245, %get3A_261 : vector<16xf32>
        %swap3A_263 = arith.index_cast %scan3A_165 : i32 to index
        %swap3A_264 = arith.constant 48 : index
        %swap3A_265 = tpu.vector_load %arg14[%swap3A_263, %swap3A_264] {strides = array<i32>} : memref<200x64xf32, #tpu.memory_space<vmem>>, vector<1x16xf32>,
        %swap3A_266 = vector.shape_cast %swap3A_265 : vector<1x16xf32> to vector<16xf32>
        %swap3A_267 = vector.shape_cast %add3A_262 : vector<16xf32> to vector<1x16xf32>
        tpu.vector_store %arg14[%swap3A_263, %swap3A_264], %swap3A_267 {strides = array<i32>} : memref<200x64xf32, #tpu.memory_space<vmem>>, vector<1x16xf32>,
      }
      %scan3A_147 = arith.constant 200 : i32
      %dma_start3A_148 = arith.constant 0 : i32
      %dma_start3A_149 = tpu.memref_slice %arg5[%add3A_114, %dma_start3A_148] : memref<204800x64xf32, #tpu.memory_space<hbm>> -> memref<200x64xf32, #tpu.memory_space<hbm>>
      %dma_start3A_150 = arith.constant 0 : i32
      %dma_start3A_151 = tpu.memref_slice %arg5[%add3A_114, %dma_start3A_150] : memref<204800x64xf32, #tpu.memory_space<hbm>> -> memref<200x64xf32, #tpu.memory_space<hbm>>
      tpu.enqueue_dma source(%arg12 : memref<200x64xf32, #tpu.memory_space<vmem>>) target(%dma_start3A_151 : memref<200x64xf32, #tpu.memory_space<hbm>>) target_semaphore(%arg21 : memref<!tpu.dma_semaphore, #tpu.memory_space<semaphore_mem>>)
      %dma_start3A_152 = arith.constant 0 : i32
      %dma_start3A_153 = tpu.memref_slice %arg7[%add3A_114, %dma_start3A_152] : memref<204800x64xf32, #tpu.memory_space<hbm>> -> memref<200x64xf32, #tpu.memory_space<hbm>>
      %dma_start3A_154 = arith.constant 0 : i32
      %dma_start3A_155 = tpu.memref_slice %arg7[%add3A_114, %dma_start3A_154] : memref<204800x64xf32, #tpu.memory_space<hbm>> -> memref<200x64xf32, #tpu.memory_space<hbm>>
      tpu.enqueue_dma source(%arg14 : memref<200x64xf32, #tpu.memory_space<vmem>>) target(%dma_start3A_155 : memref<200x64xf32, #tpu.memory_space<hbm>>) target_semaphore(%arg23 : memref<!tpu.dma_semaphore, #tpu.memory_space<semaphore_mem>>)
      %dma_wait3A_156 = arith.constant 0 : i32
      %dma_wait3A_157 = tpu.memref_slice %arg6[%add3A_114, %dma_wait3A_156] : memref<204800x64xf32, #tpu.memory_space<hbm>> -> memref<200x64xf32, #tpu.memory_space<hbm>>
      %dma_wait3A_158 = arith.constant 0 : i32
      %dma_wait3A_159 = tpu.memref_slice %arg6[%add3A_114, %dma_wait3A_158] : memref<204800x64xf32, #tpu.memory_space<hbm>> -> memref<200x64xf32, #tpu.memory_space<hbm>>
      tpu.wait_dma2 semaphore(%arg19 : memref<!tpu.dma_semaphore, #tpu.memory_space<semaphore_mem>>) src(%arg10 : memref<200x64xf32, #tpu.memory_space<vmem>>) dst(%dma_wait3A_159 : memref<200x64xf32, #tpu.memory_space<hbm>>)
      %lt3A_160 = arith.constant 15 : i32
      %lt3A_161 = arith.cmpi slt, %scan3A_54, %lt3A_160 : i32
      %convert_element_type3A_162 = arith.extui %lt3A_161 : i1 to i32
      %cond3A_163 = arith.constant 0 : i32
      %cond3A_164 = arith.cmpi ne, %convert_element_type3A_162, %cond3A_163 : i32
      scf.if %cond3A_164 {
        %add3A_165 = arith.constant 2 : i32
        %add3A_166 = arith.addi %add3A_111, %add3A_165 : i32
        %mul3A_167 = arith.constant 200 : i32
        %mul3A_168 = arith.muli %add3A_166, %mul3A_167 : i32
        %add3A_169 = arith.constant 104 : i32
        %add3A_170 = arith.addi %mul3A_168, %add3A_169 : i32
        %dma_start3A_171 = arith.constant 0 : i32
        %dma_start3A_172 = arith.constant 0 : i32
        %dma_start3A_173 = tpu.memref_slice %arg10[%dma_start3A_171, %dma_start3A_172] : memref<200x64xf32, #tpu.memory_space<vmem>> -> memref<104x64xf32, #tpu.memory_space<vmem>>
        %dma_start3A_174 = tpu.memref_slice %arg8[%mul3A_168] : memref<6400xi32, #tpu.memory_space<vmem>> -> memref<104xi32, #tpu.memory_space<vmem>>
        %dma_start3A_175 = arith.constant 0 : i32
        %dma_start3A_176 = arith.constant 0 : i32
        %dma_start3A_177 = tpu.memref_slice %arg3[%dma_start3A_175, %dma_start3A_176] : memref<1000000x64xf32, #tpu.memory_space<hbm>> -> memref<1000000x64xf32, #tpu.memory_space<hbm>>
        tpu.enqueue_indirect_dma source(%dma_start3A_177 : memref<1000000x64xf32, #tpu.memory_space<hbm>>) target(%dma_start3A_173 : memref<104x64xf32, #tpu.memory_space<vmem>>) offsets(%dma_start3A_174 : memref<104xi32, #tpu.memory_space<vmem>>) semaphore(%arg17 : memref<!tpu.dma_semaphore, #tpu.memory_space<semaphore_mem>>)
        %dma_start3A_178 = arith.constant 104 : i32
        %dma_start3A_179 = arith.constant 0 : i32
        %dma_start3A_180 = tpu.memref_slice %arg10[%dma_start3A_178, %dma_start3A_179] : memref<200x64xf32, #tpu.memory_space<vmem>> -> memref<96x64xf32, #tpu.memory_space<vmem>>
        %dma_start3A_181 = tpu.memref_slice %arg8[%add3A_170] : memref<6400xi32, #tpu.memory_space<vmem>> -> memref<96xi32, #tpu.memory_space<vmem>>
        %dma_start3A_182 = arith.constant 0 : i32
        %dma_start3A_183 = arith.constant 0 : i32
        %dma_start3A_184 = tpu.memref_slice %arg3[%dma_start3A_182, %dma_start3A_183] : memref<1000000x64xf32, #tpu.memory_space<hbm>> -> memref<1000000x64xf32, #tpu.memory_space<hbm>>
        tpu.enqueue_indirect_dma source(%dma_start3A_184 : memref<1000000x64xf32, #tpu.memory_space<hbm>>) target(%dma_start3A_180 : memref<96x64xf32, #tpu.memory_space<vmem>>) offsets(%dma_start3A_181 : memref<96xi32, #tpu.memory_space<vmem>>) semaphore(%arg17 : memref<!tpu.dma_semaphore, #tpu.memory_space<semaphore_mem>>)
      } else {
      }
    }
    %scan3A_38 = arith.constant 16 : i32
    %dma_wait3A = arith.constant 0 : i32
    %dma_wait3A_39 = tpu.memref_slice %arg5[%mul3A_2, %dma_wait3A] : memref<204800x64xf32, #tpu.memory_space<hbm>> -> memref<200x64xf32, #tpu.memory_space<hbm>>
    %dma_wait3A_40 = arith.constant 0 : i32
    %dma_wait3A_41 = tpu.memref_slice %arg5[%mul3A_2, %dma_wait3A_40] : memref<204800x64xf32, #tpu.memory_space<hbm>> -> memref<200x64xf32, #tpu.memory_space<hbm>>
    tpu.wait_dma2 semaphore(%arg20 : memref<!tpu.dma_semaphore, #tpu.memory_space<semaphore_mem>>) src(%arg11 : memref<200x64xf32, #tpu.memory_space<vmem>>) dst(%dma_wait3A_41 : memref<200x64xf32, #tpu.memory_space<hbm>>)
    %dma_wait3A_42 = arith.constant 0 : i32
    %dma_wait3A_43 = tpu.memref_slice %arg7[%mul3A_2, %dma_wait3A_42] : memref<204800x64xf32, #tpu.memory_space<hbm>> -> memref<200x64xf32, #tpu.memory_space<hbm>>
    %dma_wait3A_44 = arith.constant 0 : i32
    %dma_wait3A_45 = tpu.memref_slice %arg7[%mul3A_2, %dma_wait3A_44] : memref<204800x64xf32, #tpu.memory_space<hbm>> -> memref<200x64xf32, #tpu.memory_space<hbm>>
    tpu.wait_dma2 semaphore(%arg22 : memref<!tpu.dma_semaphore, #tpu.memory_space<semaphore_mem>>) src(%arg13 : memref<200x64xf32, #tpu.memory_space<vmem>>) dst(%dma_wait3A_45 : memref<200x64xf32, #tpu.memory_space<hbm>>)
    %dma_wait3A_46 = arith.constant 0 : i32
    %dma_wait3A_47 = tpu.memref_slice %arg5[%mul3A_2, %dma_wait3A_46] : memref<204800x64xf32, #tpu.memory_space<hbm>> -> memref<200x64xf32, #tpu.memory_space<hbm>>
    %dma_wait3A_48 = arith.constant 0 : i32
    %dma_wait3A_49 = tpu.memref_slice %arg5[%mul3A_2, %dma_wait3A_48] : memref<204800x64xf32, #tpu.memory_space<hbm>> -> memref<200x64xf32, #tpu.memory_space<hbm>>
    tpu.wait_dma2 semaphore(%arg21 : memref<!tpu.dma_semaphore, #tpu.memory_space<semaphore_mem>>) src(%arg12 : memref<200x64xf32, #tpu.memory_space<vmem>>) dst(%dma_wait3A_49 : memref<200x64xf32, #tpu.memory_space<hbm>>)
    %dma_wait3A_50 = arith.constant 0 : i32
    %dma_wait3A_51 = tpu.memref_slice %arg7[%mul3A_2, %dma_wait3A_50] : memref<204800x64xf32, #tpu.memory_space<hbm>> -> memref<200x64xf32, #tpu.memory_space<hbm>>
    %dma_wait3A_52 = arith.constant 0 : i32
    %dma_wait3A_53 = tpu.memref_slice %arg7[%mul3A_2, %dma_wait3A_52] : memref<204800x64xf32, #tpu.memory_space<hbm>> -> memref<200x64xf32, #tpu.memory_space<hbm>>
    tpu.wait_dma2 semaphore(%arg23 : memref<!tpu.dma_semaphore, #tpu.memory_space<semaphore_mem>>) src(%arg14 : memref<200x64xf32, #tpu.memory_space<vmem>>) dst(%dma_wait3A_53 : memref<200x64xf32, #tpu.memory_space<hbm>>)
    return
  }
}

</mosaic_0001>

<sc_bundles>
// kernel: kernel.3.cloned.1.call-start
scs
__scs_entry_jumppad:
0x0: {  	(pc) =	sbr.rel $0x88, $3  }
0x1: {  	(tag) =	ssettag $0x0;
	lr =	simm.s32 $0x1  }
0x2: {  	[smem:$0x3F9E] =	sst lr;
	_ =	strace $0xD0000000  }
0x3: {  	_ = 	snop  }
0x4: {  	_ = 	snop  }
0x5: {  	_ = 	snop  }
0x6: {  	_ = 	snop  }
0x7: {  	_ = 	snop  }
__scs_overlays_trampoline_lowered:
0x8: {  	[smem:$0x3FAD] =	sst s0  }
0x9: {  	[smem:$0x3FAE] =	sst s1  }
0xa: {  	[smem:$0x3FAF] =	sst s2  }
0xb: {  	[smem:$0x3FB0] =	sst s3  }
0xc: {  	[smem:$0x3FB1] =	sst s4  }
0xd: {  	[smem:$0x3FB2] =	sst s5  }
0xe: {  	[smem:$0x3FB3] =	sst s6  }
0xf: {  	[smem:$0x3FB4] =	sst s7  }
0x10: {  	[smem:$0x3FB5] =	sst s8  }
0x11: {  	[smem:$0x3FB6] =	sst s9;
	s0 =	simm.s32 @!p0 $0x0  }
0x12: {  	s1 =	sld [smem:$0x3F9C];
	s0 =	simm.s32 @p0 $0x1  }
0x13: {  	[smem:$0x3FB7] =	sst s0;
	s0 =	simm.s32 @!p1 $0x0  }
0x14: {  	s2 =	sld [smem:$0x3F9B];
	s0 =	simm.s32 @p1 $0x1  }
0x15: {  	[smem:$0x3FB8] =	sst s0;
	s0 =	simm.s32 @!p2 $0x0  }
0x16: {  	s3 =	sld [smem:$0x3FDB];
	s0 =	simm.s32 @p2 $0x1  }
0x17: {  	s4 =	simm.s32 $0x1BF5;
	[smem:$0x3FBA] =	sst s0  }
0x18: {  	s0 =	sld [smem:$0x3F9D];
	_ =	swait.ge [sflag:s4], $0x0  }
0x19: {  	s7 =	sld [smem:$0x3F9E]  }
0x1a: {  	s8 =	sadd.s32 $0xFFFFE003, lr  }
0x1b: {  	s9 =	sadd.s32 $0xFFFFFEF7, lr;
	s5 =	simm.s32 $0xFFFFFFFF;
	p2 =	slt.u32 s8, $0xFFFFF086  }
0x1c: {  	p1 =	slt.u32 s9, $0xF7A;
	s5 =	simm.s32 @!p2 $0x0  }
0x1d: {  	s5 =	simm.s32 @p1 $0x1;
	p0 =	seq.s32 s7, s2  }
0x1e: {  	s7 =	smul.u32 @!p0 $0xF7A, s2;
	p2 =	seq.s32 @!p0 s5, $0x0  }
0x1f: {  	s9 =	smul.u32 $0xF7A, s1;
	s8 =	simm.s32 @!p0 $0x1BF5;
	p2 =	por !p2, p0  }
0x20: {  	[sflag:s8] =	ssyncset.s32 @!p0 $0xFFFFF086;
	s6 =	sadd.s32 @!p0 s3, s7;
	s7 =	simm.s32 @!p0 $0x108  }
0x21: {  	s3 =	sadd.s32 s3, s9;
	s6 =	sadd.s32 @!p0 $0x88, s6;
	s7 =	simm.s32 @p2 $0x1082  }
0x22: {  	[simem:s7], [sflag:s8] =	dma.local @!p0 [hbm:s6], $0xF7A  }
0x23: {  	s9 =	sor.u32 $0xD0000000, s2;
	s6 =	simm.s32 $0x108;
	_ =	swait.ge @!p0 [sflag:s8], $0x0  }
0x24: {  	s3 =	sadd.s32 $0x88, s3;
	s6 =	simm.s32 @!p1 $0x1082;
	[sflag:s4] =	ssyncset.s32 $0xFFFFF086  }
0x25: {  	[simem:s6], [sflag:s4] =	dma.local [hbm:s3], $0xF7A  }
0x26: {  	[smem:$0x3F9E] =	sst s1;
	(tag) =	ssettag s2;
	_ =	strace s9  }
0x27: {  	s1 =	sld [smem:$0x3FAE]  }
0x28: {  	s2 =	sld [smem:$0x3FAF]  }
0x29: {  	s4 =	sld [smem:$0x3FB1]  }
0x2a: {  	p0 =	seq.s32 s5, $0x0;
	s5 =	sld [smem:$0x3FB2]  }
0x2b: {  	s6 =	sld [smem:$0x3FB3]  }
0x2c: {  	s7 =	sld [smem:$0x3FB4]  }
0x2d: {  	s3 =	simm.s32 $0x108;
	s8 =	sld [smem:$0x3FB5]  }
0x2e: {  	s3 =	simm.s32 @!p0 $0x1082;
	s9 =	sld [smem:$0x3FB6]  }
0x2f: {  	lr =	sadd.s32 s0, s3;
	s0 =	sld [smem:$0x3FAD]  }
0x30: {  	s3 =	sld [smem:$0x3FB0]  }
0x31: {  	[smem:$0x3FB9] =	sst s10  }
0x32: {  	s10 =	sld [smem:$0x3FB7];
	_ =	sdelay $0x3  }
0x33: {  	p0 =	seq.s32 s10, $0x1;
	s10 =	sld [smem:$0x3FB9];
	_ =	sdelay $0x3  }
0x34: {  	[smem:$0x3FB9] =	sst s10  }
0x35: {  	s10 =	sld [smem:$0x3FB8];
	_ =	sdelay $0x3  }
0x36: {  	p1 =	seq.s32 s10, $0x1;
	s10 =	sld [smem:$0x3FB9];
	_ =	sdelay $0x3  }
0x37: {  	[smem:$0x3FB9] =	sst s10  }
0x38: {  	s10 =	sld [smem:$0x3FBA]  }
0x39: {  	_ = 	snop;
	(pc) =	sbr.ind lr, $3  }
0x3a: {  	_ = 	snop  }
0x3b: {  	_ = 	snop  }
0x3c: {  	p2 =	seq.s32 s10, $0x1;
	s10 =	sld [smem:$0x3FB9]  }
0x3d: {  	_ =	shalt  }
0x3e: {  	_ =	shalt  }
0x3f: {  	_ =	shalt  }
0x40: {  	_ =	shalt  }
0x41: {  	_ =	shalt  }
0x42: {  	_ =	shalt  }
0x43: {  	_ =	shalt  }
0x44: {  	_ =	shalt  }
0x45: {  	_ =	shalt  }
0x46: {  	_ =	shalt  }
0x47: {  	_ =	shalt  }
0x48: {  	_ =	shalt  }
0x49: {  	_ =	shalt  }
0x4a: {  	_ =	shalt  }
0x4b: {  	_ =	shalt  }
0x4c: {  	_ =	shalt  }
0x4d: {  	_ =	shalt  }
0x4e: {  	_ =	shalt  }
0x4f: {  	_ =	shalt  }
0x50: {  	_ =	shalt  }
0x51: {  	_ =	shalt  }
0x52: {  	_ =	shalt  }
0x53: {  	_ =	shalt  }
0x54: {  	_ =	shalt  }
0x55: {  	_ =	shalt  }
0x56: {  	_ =	shalt  }
0x57: {  	_ =	shalt  }
0x58: {  	_ =	shalt  }
0x59: {  	_ =	shalt  }
0x5a: {  	_ =	shalt  }
0x5b: {  	_ =	shalt  }
0x5c: {  	_ =	shalt  }
0x5d: {  	_ =	shalt  }
0x5e: {  	_ =	shalt  }
0x5f: {  	_ =	shalt  }
0x60: {  	_ =	shalt  }
0x61: {  	_ =	shalt  }
0x62: {  	_ =	shalt  }
0x63: {  	_ =	shalt  }
0x64: {  	_ =	shalt  }
0x65: {  	_ =	shalt  }
0x66: {  	_ =	shalt  }
0x67: {  	_ =	shalt  }
0x68: {  	_ =	shalt  }
0x69: {  	_ =	shalt  }
0x6a: {  	_ =	shalt  }
0x6b: {  	_ =	shalt  }
0x6c: {  	_ =	shalt  }
0x6d: {  	_ =	shalt  }
0x6e: {  	_ =	shalt  }
0x6f: {  	_ =	shalt  }
0x70: {  	_ =	shalt  }
0x71: {  	_ =	shalt  }
0x72: {  	_ =	shalt  }
0x73: {  	_ =	shalt  }
0x74: {  	_ =	shalt  }
0x75: {  	_ =	shalt  }
0x76: {  	_ =	shalt  }
0x77: {  	_ =	shalt  }
0x78: {  	_ =	shalt  }
0x79: {  	_ =	shalt  }
0x7a: {  	_ =	shalt  }
0x7b: {  	_ =	shalt  }
0x7c: {  	_ =	shalt  }
0x7d: {  	_ =	shalt  }
0x7e: {  	_ =	shalt  }
0x7f: {  	_ =	shalt  }
0x80: {  	_ =	shalt  }
0x81: {  	_ =	shalt  }
0x82: {  	_ =	shalt  }
0x83: {  	_ =	shalt  }
0x84: {  	_ =	shalt  }
0x85: {  	_ =	shalt  }
0x86: {  	_ =	shalt  }
0x87: {  	_ =	shalt  }
.Lfunc_end0:
.L_simem_size_0:
called_computation.3_lowered:
.L_overlay_start_0:
0x88: {  	s2 =	sld [smem:$0x3FD9]  }
0x89: {  	s3 =	sld [smem:$0x3FFE];
	_ =	sdelay $0x1  }
0x8a: {  	s1 =	srdreg.scid  }
0x8b: {  	s0 =	sand.u32 $0x1, s1  }
0x8c: {  	s14 =	sshll.u32 s0, $0xA;
	s2 =	sadd.s32 s3, s2  }
0x8d: {  	s2 =	sadd.s32 s2, s14  }
0x8e: {  	[smem:$0x3FC5] =	sst s2  }
0x8f: {  	_ = 	snop  }
0x90: {  	s2 =	sld [smem:$0x3FD0];
	_ =	sdelay $0x2  }
0x91: {  	s15 =	simm.s32 $0xC;
	s4 =	simm.s32 $0x10  }
0x92: {  	[smem:s4], [sflag:s15] =	dma.local [hbm:s2], $0x1  }
0x93: {  	_ =	swait.eq [sflag:s15], $0x1  }
0x94: {  	s16 =	sld [smem:$0x10];
	[sflag:s15] =	ssyncset.done $0x0  }
0x95: {  	s17 =	sld [smem:$0x11];
	[sflag:s15] =	ssyncadd.s32 $0xFFFFFFFF  }
0x96: {  	s18 =	sld [smem:$0x12];
	(tm) =	ssettm $0x1  }
0x97: {  	s5 =	sld [smem:$0x3FFB];
	_ =	sdelay $0x3  }
0x98: {  	_ =	strace s5  }
0x99: {  	s5 =	sld [smem:$0x3FFC];
	_ =	sdelay $0x3  }
0x9a: {  	_ =	strace s5  }
0x9b: {  	s5 =	sld [smem:$0x3FFD];
	_ =	sdelay $0x3  }
0x9c: {  	_ =	strace s5  }
0x9d: {  	_ =	strace $0x8FFFFFFF  }
0x9e: {  	s19 =	sld [smem:$0x3FDB];
	_ =	sdelay $0x1  }
0x9f: {  	s6 =	simm.s32 $_scs_section_size  }
0xa0: {  	s7 =	simm.s32 $_size__tile_overlayer_lowered;
	s8 =	simm.s32 $_tile_overlayer_lowered  }
0xa1: {  	s22 =	simm.s32 $0x1BFF;
	s21 =	sshll.u32 s8, $0x1;
	s5 =	sadd.s32 s6, s19  }
0xa2: {  	s9 =	simm.s32 $0x0;
	s20 =	sshll.u32 s7, $0x1;
	s7 =	sadd.s32 s21, s5  }
0xa3: {  	[timem:s9], [sflag:s22] =	dma.local [hbm:s7], s20  }
0xa4: {  	_ =	swait.ge [sflag:s22], s20  }
0xa5: {  	s6 =	ssub.s32 $0x0, s20;
	[sflag:s22] =	ssyncset.done $0x0  }
0xa6: {  	[sflag:s22] =	ssyncadd.s32 s6;
	_ =	sdelay $0x1  }
0xa7: {  	s23 =	simm.s32 $0x1B8B  }
0xa8: {  	_ =	swait.ge [sflag:s23], $0x1  }
0xa9: {  	[sflag:s23] =	ssyncset.done $0x0  }
0xaa: {  	s25 =	simm.s32 $0x1B8E;
	s24 =	sld [smem:$0x3FFE];
	[sflag:s23] =	ssyncadd.s32 $0xFFFFFFFF  }
0xab: {  	s26 =	simm.s32 $execute0_lowered;
	[smem:$0x3FD2] =	sst s25  }
0xac: {  	s7 =	sshll.u32 s26, $0x1;
	_ =	strace $0x80000046;
	[dreg:$0x1] =	wrdreg $0xFFFFFFFF  }
0xad: {  	s28 =	simm.s32 $_size_execute0_lowered;
	s5 =	sadd.s32 s5, s7;
	[dreg:$0x0] =	wrdreg $0x0  }
0xae: {  	s7 =	sshll.u32 s28, $0x1;
	[dreg:$0x2] =	wrdreg s5  }
0xaf: {  	[dreg:$0x3] =	wrdreg s7  }
0xb0: {  	[dreg:$0x4] =	wrdreg $0xC0  }
0xb1: {  	_ =	task [dreg:s9], $0x5FFFF  }
0xb2: {  	[dreg:$0x1] =	wrdreg $0xFFFFFFFF  }
0xb3: {  	[dreg:$0x0] =	wrdreg $0x60  }
0xb4: {  	[dreg:$0x2] =	wrdreg s24  }
0xb5: {  	[dreg:$0x3] =	wrdreg s16  }
0xb6: {  	[dreg:$0x4] =	wrdreg s17  }
0xb7: {  	[dreg:$0x5] =	wrdreg s18  }
0xb8: {  	[dreg:$0x6] =	wrdreg $0x9  }
0xb9: {  	_ =	task.clear_ibuf [dreg:s9], $0x7FFFF;
	_ =	strace $0x90000046  }
0xba: {  	s29 =	simm.s32 $0x9;
	_ =	strace $0x80000048  }
0xbb: {  	_ =	swait.ge [sflag:s29], $0x1  }
0xbc: {  	[sflag:s29] =	ssyncadd.s32 $0xFFFFFFFF  }
0xbd: {  	_ =	strace $0x90000048  }
0xbe: {  	_ =	sfence  }
0xbf: {  	s30 =	sld [smem:$0x0];
	_ =	sdelay $0x2  }
0xc0: {  	s31 =	sshll.u32 s1, $0xD;
	s1 =	sshrl.u32 s1, $0x2  }
0xc1: {  	s3 =	sand.u32 $0x4000, s31;
	s1 =	sadd.s32 s1, s30  }
0xc2: {  	s0 =	sor.u32 s3, s0;
	s1 =	sshll.u32 s1, $0x11  }
0xc3: {  	s0 =	sor.u32 s1, s0  }
0xc4: {  	s0 =	sadd.s32 $0x8F2B, s0  }
0xc5: {  	[sflag:s0] =	ssyncadd.remote.s32 $0x1  }
0xc6: {  	_ =	sfence.sel $0xFFFF  }
0xc7: {  	[dreg:$0x0] =	wrdreg $0xFFFFFFFF;
	(pc) =	sbr.abs _section_cstart, $3  }
0xc8: {  	[dreg:$0x1] =	wrdreg $0xFFFFFFFF  }
0xc9: {  	_ =	task.clear_ibuf [dreg:s9], $0x2FFFF;
	_ =	strace $0x9FFFFFFF  }
0xca: {  	(tm) =	ssettm $0x7FFFFFFF  }
0xcb: {  	_ =	shalt  }
tec
execute0_lowered:
.L_overlay_start_1:
0x0: {  	(tag) =	ssettag $0x1  }
0x1: {  	s0 =	rddreg [dreg:$0x0]  }
0x2: {  	s2 =	srdreg.scid;
	s3 =	stileid.u32  }
0x3: {  	s1 =	rddreg [dreg:$0x1];
	s6 =	simm.s32 $0x0;
	s12 =	simm.s32 $0x9  }
0x4: {  	s14 =	simm.s32 $0x68;
	s15 =	simm.s32 $0x1900;
	s16 =	simm.s32 $0x60  }
0x5: {  	s19 =	simm.s32 $0x4B00;
	s21 =	simm.s32 $0x6500;
	s22 =	simm.s32 $0x1  }
0x6: {  	s23 =	simm.s32 $0x7D00;
	s24 =	simm.s32 $0xE100;
	s25 =	simm.s32 $0x3  }
0x7: {  	s28 =	simm.s32 $0xAF00;
	s29 =	simm.s32 $0x11300;
	s30 =	simm.s32 $0x4  }
0x8: {  	s13 =	simm.s32 $0x8;
	s2 =	sand.u32 $0x1, s2;
	s4 =	sshll.u32 s3, $0x1  }
0x9: {  	s17 =	simm.s32 $0x0;
	s3 =	rddreg [dreg:$0x2];
	s5 =	sor.u32 s2, s4  }
0xa: {  	[smem:$0x7FF] =	sst s6;
	s2 =	ssub.s32 $0x2, s2;
	s5 =	smul.u32 $0x1900, s5  }
0xb: {  	s4 =	rddreg [dreg:$0x3];
	_ =	strace $0x80000047;
	s26 =	sshrl.u32 s2, $0x1  }
.Ltmp0:
0xc: {  	s7 =	sshrl.u32 s5, $0x3;
	s10 =	sor.u32 $0xC8, s5;
	(pc) =	sbr.rel .LBB2_1-.Ltmp0, $4  }
0xd: {  	s8 =	sadd.s32 s7, s0;
	s7 =	sadd.s32 $0xF44200, s0;
	s0 =	sadd.s32 $0x1000, s0  }
0xe: {  	[dreg:$0x5] =	wrdreg s0;
	s0 =	ssub.s32 s2, s26;
	s31 =	sadd.s32 $0x1E00, s8  }
0xf: {  	s26 =	simm.s32 $0x2;
	[dreg:$0x6] =	wrdreg s31;
	s0 =	smax.u32 s0, $0x1  }
0x10: {  	s2 =	simm.s32 $0x7;
	[dreg:$0x7] =	wrdreg s0;
	s0 =	simm.s32 $0x6  }
.LBB2_8:
0x11: {  	s8 =	simm.s32 $0x5  }
0x12: {  	_ =	swait.ge [sflag:s8], $0x3200  }
0x13: {  	[sflag:s8] =	ssyncset.done $0x0  }
0x14: {  	[sflag:s8] =	ssyncadd.s32 $0xFFFFCE00  }
0x15: {  	_ =	swait.ge [sflag:s2], $0x3200  }
0x16: {  	[sflag:s2] =	ssyncset.done $0x0  }
0x17: {  	[sflag:s2] =	ssyncadd.s32 $0xFFFFCE00  }
0x18: {  	_ =	swait.ge [sflag:s0], $0x3200  }
0x19: {  	[sflag:s0] =	ssyncset.done $0x0  }
0x1a: {  	[sflag:s0] =	ssyncadd.s32 $0xFFFFCE00  }
0x1b: {  	_ =	swait.ge [sflag:s13], $0x3200  }
0x1c: {  	s17 =	sadd.s32 $0x1, s17;
	s31 =	rddreg [dreg:$0x7]  }
0x1d: {  	p0 =	sne.s32 s17, s31  }
.Ltmp1:
0x1e: {  	_ = 	snop;
	(pc) =	sbr.rel @!p0 .LBB2_9-.Ltmp1, $3  }
0x1f: {  	_ =	sdelay $0x1  }
0x20: {  	[sflag:s13] =	ssyncset.done $0x0  }
0x21: {  	[sflag:s13] =	ssyncadd.s32 $0xFFFFCE00  }
.LBB2_1:
0x22: {  	s8 =	rddreg [dreg:$0x6]  }
0x23: {  	[tilespmem:s6], [sflag:$0x9] =	stream.linear.gather [hbm4b:s8+s6], $0x1900, $0x38;
	[tilespmem:$0x1A900] =	vst v63  }
0x24: {  	_ =	swait.ge [sflag:s12], $0x1900  }
0x25: {  	[sflag:s12] =	ssyncset.done $0x0  }
0x26: {  	s9 =	simm.s32 $0x14500;
	s11 =	rddreg [dreg:$0x5];
	[sflag:s12] =	ssyncadd.s32 $0xFFFFE700  }
0x27: {  	[tilespmem:s9], [sflag:$0x9] =	stream.linear.gather [hbm4b:s11+s6], $0x6400, $0x38;
	[tilespmem:$0x1A900] =	vst v63  }
0x28: {  	_ =	swait.ge [sflag:s12], $0x6400  }
0x29: {  	[sflag:s12] =	ssyncset.done $0x0  }
0x2a: {  	[sflag:s12] =	ssyncadd.s32 $0xFFFF9C00  }
0x2b: {  	[tilespmem:s15], [sflag:$0x1] =	stream.indirect.gather [hbm4b:s7+s14], $0x40, s6, s14, $0xb8;
	[tilespmem:$0x1A900] =	vst v63  }
0x2c: {  	s18 =	simm.s32 $0x3300  }
0x2d: {  	[tilespmem:s18], [sflag:$0x1] =	stream.indirect.gather [hbm4b:s7+s16], $0x40, s14, s16, $0xb8;
	[tilespmem:$0x1A900] =	vst v63  }
0x2e: {  	s20 =	simm.s32 $0xC8  }
0x2f: {  	[tilespmem:s19], [sflag:$0x2] =	stream.indirect.gather [hbm4b:s7+s14], $0x40, s20, s14, $0xb8;
	[tilespmem:$0x1A900] =	vst v63  }
0x30: {  	s31 =	simm.s32 $0x130;
	s18 =	simm.s32 $0x0  }
0x31: {  	[tilespmem:s21], [sflag:$0x2] =	stream.indirect.gather [hbm4b:s7+s16], $0x40, s31, s16, $0xb8;
	[tilespmem:$0x1A900] =	vst v63  }
.LBB2_2:
0x32: {  	_ =	swait.ge [sflag:s22], $0x1A00  }
0x33: {  	s20 =	smul.u32 $0x190, s18;
	[sflag:s22] =	ssyncset.done $0x0  }
0x34: {  	[sflag:s22] =	ssyncadd.s32 $0xFFFFE600  }
0x35: {  	s8 =	sadd.s32 s5, s20;
	_ =	swait.ge [sflag:s22], $0x1800  }
0x36: {  	s8 =	sshll.u32 s8, $0x3;
	[sflag:s22] =	ssyncset.done $0x0  }
0x37: {  	p0 =	seq.s32 s18, $0x0;
	s9 =	sadd.s32 s3, s8;
	[sflag:s22] =	ssyncadd.s32 $0xFFFFE800  }
0x38: {  	[hbm4b:s9+s6] =	stream.linear.scatter [tilespmem:s15], [sflag:$0x3], $0x3200, $0x38;
	[tilespmem:$0x1A900] =	vst v63  }
0x39: {  	s9 =	simm.s32 @!p0 $0x5  }
0x3a: {  	_ =	swait.ge @!p0 [sflag:s9], $0x3200  }
0x3b: {  	[sflag:s9] =	ssyncset.done @!p0 $0x0  }
0x3c: {  	[sflag:s9] =	ssyncadd.s32 @!p0 $0xFFFFCE00;
	s9 =	simm.s32 @!p0 $0x7  }
0x3d: {  	_ =	swait.ge @!p0 [sflag:s9], $0x3200  }
0x3e: {  	[sflag:s9] =	ssyncset.done @!p0 $0x0  }
0x3f: {  	[sflag:s9] =	ssyncadd.s32 @!p0 $0xFFFFCE00;
	s9 =	simm.s32 $0x0  }
0x40: {  	v0 =	vld [tilespmem:s9+$0x1930]  }
0x41: {  	v1 =	vld [tilespmem:s9+$0x17730]  }
0x42: {  	v4 =	vld [tilespmem:s9+$0x1900]  }
0x43: {  	v3 =	vld [tilespmem:s9+$0x14500]  }
0x44: {  	v5 =	vld [tilespmem:s9+$0x17700]  }
0x45: {  	v7 =	vld [tilespmem:s9+$0x1910]  }
0x46: {  	v6 =	vld [tilespmem:s9+$0x14510]  }
0x47: {  	v8 =	vld [tilespmem:s9+$0x17710];
	v1 =	vadd.f32 v1, v0  }
0x48: {  	v2 =	vld [tilespmem:s9+$0x1920];
	v9 =	vadd.f32 v3, v4  }
0x49: {  	v3 =	vld [tilespmem:s9+$0x14520];
	[tilespmem:s9+$0xE130] =	vst v1;
	v1 =	vadd.f32 v5, v4  }
0x4a: {  	[tilespmem:s9+$0x7D00] =	vst v9;
	v4 =	vld [tilespmem:s9+$0x17720]  }
0x4b: {  	s11 =	simm.s32 $0x40;
	v6 =	vadd.f32 v6, v7;
	v5 =	vld [tilespmem:s9+$0x14530];
	[tilespmem:s9+$0xE100] =	vst v1  }
0x4c: {  	s31 =	simm.s32 $0x200;
	v7 =	vadd.f32 v8, v7;
	v1 =	vld [tilespmem:s11+$0x1930]  }
.LBB2_3:
0x4d: {  	p1 =	sne.s32 s31, $0xC700;
	v8 =	vld [tilespmem:s11+$0x17730];
	[tilespmem:s9+$0x7D10] =	vst v6  }
0x4e: {  	v6 =	vld [tilespmem:s11+$0x1900];
	[tilespmem:s9+$0xE110] =	vst v7;
	v3 =	vadd.f32 v3, v2  }
0x4f: {  	v7 =	vld [tilespmem:s11+$0x14500];
	v2 =	vadd.f32 v4, v2  }
0x50: {  	v4 =	vld [tilespmem:s11+$0x17700];
	[tilespmem:s9+$0x7D20] =	vst v3;
	v3 =	vadd.f32 v5, v0  }
0x51: {  	v9 =	vld [tilespmem:s11+$0x1910];
	[tilespmem:s9+$0xE120] =	vst v2;
	v0 =	vmov v1  }
0x52: {  	v1 =	vld [tilespmem:s11+$0x14510];
	v5 =	vadd.f32 v8, v0;
	[tilespmem:s9+$0x7D30] =	vst v3;
	s9 =	smov.u32 s11  }
0x53: {  	v8 =	vld [tilespmem:s9+$0x17710]  }
.Ltmp2:
0x54: {  	v7 =	vadd.f32 v7, v6;
	v2 =	vld [tilespmem:s9+$0x1920];
	[tilespmem:s9+$0xE130] =	vst v5;
	(pc) =	sbr.rel @p1 .LBB2_3-.Ltmp2, $4  }
0x55: {  	v5 =	vadd.f32 v4, v6;
	v3 =	vld [tilespmem:s9+$0x14520]  }
0x56: {  	[tilespmem:s9+$0x7D00] =	vst v7;
	v4 =	vld [tilespmem:s9+$0x17720]  }
0x57: {  	s11 =	sshra.s32 s31, $0x2;
	[tilespmem:s9+$0xE100] =	vst v5;
	v6 =	vadd.f32 v1, v9;
	v5 =	vld [tilespmem:s9+$0x14530]  }
0x58: {  	s31 =	sadd.s32 $0x100, s31;
	v1 =	vld [tilespmem:s11+$0x1930];
	v7 =	vadd.f32 v8, v9  }
0x59: {  	v8 =	vld [tilespmem:s11+$0x17730];
	[tilespmem:s9+$0x7D10] =	vst v6  }
0x5a: {  	v6 =	vld [tilespmem:s11+$0x1900];
	[tilespmem:s9+$0xE110] =	vst v7;
	v3 =	vadd.f32 v3, v2  }
0x5b: {  	v7 =	vld [tilespmem:s11+$0x14500];
	v2 =	vadd.f32 v4, v2  }
0x5c: {  	v9 =	vld [tilespmem:s11+$0x17700];
	[tilespmem:s9+$0x7D20] =	vst v3;
	v0 =	vadd.f32 v5, v0  }
0x5d: {  	v3 =	vld [tilespmem:s11+$0x1910];
	[tilespmem:s9+$0xE120] =	vst v2  }
0x5e: {  	v2 =	vld [tilespmem:s11+$0x14510];
	[tilespmem:s9+$0x7D30] =	vst v0  }
0x5f: {  	v0 =	vadd.f32 v8, v1;
	v4 =	vld [tilespmem:s11+$0x17710]  }
0x60: {  	v5 =	vld [tilespmem:s11+$0x1920];
	v7 =	vadd.f32 v7, v6  }
0x61: {  	[tilespmem:s11+$0xE130] =	vst v0;
	v0 =	vld [tilespmem:s11+$0x14520];
	v6 =	vadd.f32 v9, v6  }
0x62: {  	[tilespmem:s11+$0x7D00] =	vst v7;
	v7 =	vld [tilespmem:s11+$0x17720]  }
0x63: {  	[tilespmem:s11+$0xE100] =	vst v6;
	v6 =	vld [tilespmem:s11+$0x14530]  }
0x64: {  	v2 =	vadd.f32 v2, v3  }
0x65: {  	v3 =	vadd.f32 v4, v3  }
0x66: {  	[tilespmem:s11+$0x7D10] =	vst v2;
	v0 =	vadd.f32 v0, v5  }
0x67: {  	[tilespmem:s11+$0xE110] =	vst v3;
	v2 =	vadd.f32 v7, v5  }
0x68: {  	[tilespmem:s11+$0x7D20] =	vst v0;
	v0 =	vadd.f32 v6, v1  }
0x69: {  	[tilespmem:s11+$0xE120] =	vst v2  }
0x6a: {  	[tilespmem:s11+$0x7D30] =	vst v0;
	s11 =	sadd.s32 s1, s8  }
0x6b: {  	[hbm4b:s11+s6] =	stream.linear.scatter [tilespmem:s23], [sflag:$0x5], $0x3200, $0x38;
	[tilespmem:$0x1A900] =	vst v63  }
0x6c: {  	s11 =	sadd.s32 s4, s8  }
0x6d: {  	[hbm4b:s11+s6] =	stream.linear.scatter [tilespmem:s24], [sflag:$0x7], $0x3200, $0x38;
	[tilespmem:$0x1A900] =	vst v63  }
0x6e: {  	p1 =	seq.s32 s18, $0xF;
	_ =	swait.ge [sflag:s25], $0x3200  }
0x6f: {  	s9 =	simm.s32 @!p1 $0x68;
	[sflag:s25] =	ssyncset.done $0x0  }
0x70: {  	s8 =	sadd.s32 @!p1 $0x190, s20;
	s11 =	simm.s32 @!p1 $0x1900;
	[sflag:s25] =	ssyncadd.s32 $0xFFFFCE00  }
0x71: {  	[tilespmem:s11], [sflag:$0x1] =	stream.indirect.gather @!p1 [hbm4b:s7+s9], $0x40, s8, s9, $0xb8;
	[tilespmem:$0x1A900] =	vst v63  }
0x72: {  	s8 =	sadd.s32 @!p1 $0x1F8, s20;
	s9 =	simm.s32 @!p1 $0x60;
	s11 =	simm.s32 @!p1 $0x3300  }
0x73: {  	[tilespmem:s11], [sflag:$0x1] =	stream.indirect.gather @!p1 [hbm4b:s7+s9], $0x40, s8, s9, $0xb8;
	[tilespmem:$0x1A900] =	vst v63  }
0x74: {  	_ =	swait.ge [sflag:s26], $0x1A00  }
0x75: {  	[sflag:s26] =	ssyncset.done $0x0  }
0x76: {  	s9 =	sadd.s32 s20, s10;
	[sflag:s26] =	ssyncadd.s32 $0xFFFFE600  }
0x77: {  	s8 =	sshll.u32 s9, $0x3;
	_ =	swait.ge [sflag:s26], $0x1800  }
0x78: {  	s8 =	sand.u32 $0x1FFFFFC0, s8;
	[sflag:s26] =	ssyncset.done $0x0  }
0x79: {  	s9 =	simm.s32 @!p0 $0x6;
	s11 =	sadd.s32 s3, s8;
	[sflag:s26] =	ssyncadd.s32 $0xFFFFE800  }
0x7a: {  	[hbm4b:s11+s6] =	stream.linear.scatter [tilespmem:s19], [sflag:$0x4], $0x3200, $0x38;
	[tilespmem:$0x1A900] =	vst v63  }
0x7b: {  	_ =	swait.ge @!p0 [sflag:s9], $0x3200  }
0x7c: {  	[sflag:s9] =	ssyncset.done @!p0 $0x0  }
0x7d: {  	[sflag:s9] =	ssyncadd.s32 @!p0 $0xFFFFCE00;
	s9 =	simm.s32 @!p0 $0x8  }
0x7e: {  	_ =	swait.ge @!p0 [sflag:s9], $0x3200  }
0x7f: {  	[sflag:s9] =	ssyncset.done @!p0 $0x0  }
0x80: {  	[sflag:s9] =	ssyncadd.s32 @!p0 $0xFFFFCE00;
	s9 =	simm.s32 $0x0  }
0x81: {  	v0 =	vld [tilespmem:s9+$0x4B30]  }
0x82: {  	v1 =	vld [tilespmem:s9+$0x17730]  }
0x83: {  	v4 =	vld [tilespmem:s9+$0x4B00]  }
0x84: {  	v3 =	vld [tilespmem:s9+$0x14500]  }
0x85: {  	v5 =	vld [tilespmem:s9+$0x17700]  }
0x86: {  	v7 =	vld [tilespmem:s9+$0x4B10]  }
0x87: {  	v6 =	vld [tilespmem:s9+$0x14510]  }
0x88: {  	v8 =	vld [tilespmem:s9+$0x17710];
	v1 =	vadd.f32 v1, v0  }
0x89: {  	v2 =	vld [tilespmem:s9+$0x4B20];
	v63 =	vadd.f32 v3, v4  }
0x8a: {  	v3 =	vld [tilespmem:s9+$0x14520];
	[tilespmem:s9+$0x11330] =	vst v1;
	v1 =	vadd.f32 v5, v4  }
0x8b: {  	[tilespmem:s9+$0xAF00] =	vst v63;
	v4 =	vld [tilespmem:s9+$0x17720]  }
0x8c: {  	s11 =	simm.s32 $0x40;
	v6 =	vadd.f32 v6, v7;
	v5 =	vld [tilespmem:s9+$0x14530];
	[tilespmem:s9+$0x11300] =	vst v1  }
0x8d: {  	s31 =	simm.s32 $0x200;
	v7 =	vadd.f32 v8, v7;
	v1 =	vld [tilespmem:s11+$0x4B30]  }
.LBB2_5:
0x8e: {  	p0 =	sne.s32 s31, $0xC700;
	v8 =	vld [tilespmem:s11+$0x17730];
	[tilespmem:s9+$0xAF10] =	vst v6  }
0x8f: {  	v6 =	vld [tilespmem:s11+$0x4B00];
	[tilespmem:s9+$0x11310] =	vst v7;
	v3 =	vadd.f32 v3, v2  }
0x90: {  	v7 =	vld [tilespmem:s11+$0x14500];
	v2 =	vadd.f32 v4, v2  }
0x91: {  	v4 =	vld [tilespmem:s11+$0x17700];
	[tilespmem:s9+$0xAF20] =	vst v3;
	v3 =	vadd.f32 v5, v0  }
0x92: {  	v9 =	vld [tilespmem:s11+$0x4B10];
	[tilespmem:s9+$0x11320] =	vst v2;
	v0 =	vmov v1  }
0x93: {  	v1 =	vld [tilespmem:s11+$0x14510];
	v5 =	vadd.f32 v8, v0;
	[tilespmem:s9+$0xAF30] =	vst v3;
	s9 =	smov.u32 s11  }
0x94: {  	v8 =	vld [tilespmem:s9+$0x17710]  }
.Ltmp3:
0x95: {  	v7 =	vadd.f32 v7, v6;
	v2 =	vld [tilespmem:s9+$0x4B20];
	[tilespmem:s9+$0x11330] =	vst v5;
	(pc) =	sbr.rel @p0 .LBB2_5-.Ltmp3, $4  }
0x96: {  	v5 =	vadd.f32 v4, v6;
	v3 =	vld [tilespmem:s9+$0x14520]  }
0x97: {  	[tilespmem:s9+$0xAF00] =	vst v7;
	v4 =	vld [tilespmem:s9+$0x17720]  }
0x98: {  	s11 =	sshra.s32 s31, $0x2;
	[tilespmem:s9+$0x11300] =	vst v5;
	v6 =	vadd.f32 v1, v9;
	v5 =	vld [tilespmem:s9+$0x14530]  }
0x99: {  	s31 =	sadd.s32 $0x100, s31;
	v1 =	vld [tilespmem:s11+$0x4B30];
	v7 =	vadd.f32 v8, v9  }
0x9a: {  	v8 =	vld [tilespmem:s11+$0x17730];
	[tilespmem:s9+$0xAF10] =	vst v6  }
0x9b: {  	v6 =	vld [tilespmem:s11+$0x4B00];
	[tilespmem:s9+$0x11310] =	vst v7;
	v3 =	vadd.f32 v3, v2  }
0x9c: {  	v7 =	vld [tilespmem:s11+$0x14500];
	v55 =	vadd.f32 v4, v2  }
0x9d: {  	v9 =	vld [tilespmem:s11+$0x17700];
	[tilespmem:s9+$0xAF20] =	vst v3;
	v0 =	vadd.f32 v5, v0  }
0x9e: {  	v3 =	vld [tilespmem:s11+$0x4B10];
	[tilespmem:s9+$0x11320] =	vst v55  }
0x9f: {  	v2 =	vld [tilespmem:s11+$0x14510];
	[tilespmem:s9+$0xAF30] =	vst v0  }
0xa0: {  	v57 =	vld [tilespmem:s11+$0x17710]  }
0xa1: {  	v58 =	vld [tilespmem:s11+$0x4B20]  }
0xa2: {  	v56 =	vadd.f32 v8, v1;
	v59 =	vld [tilespmem:s11+$0x14520]  }
0xa3: {  	v60 =	vld [tilespmem:s11+$0x17720];
	v7 =	vadd.f32 v7, v6  }
0xa4: {  	v61 =	vld [tilespmem:s11+$0x14530];
	[tilespmem:s11+$0x11330] =	vst v56;
	v6 =	vadd.f32 v9, v6  }
0xa5: {  	[tilespmem:s11+$0xAF00] =	vst v7;
	v2 =	vadd.f32 v2, v3  }
0xa6: {  	[tilespmem:s11+$0x11300] =	vst v6;
	v3 =	vadd.f32 v57, v3  }
0xa7: {  	v0 =	vadd.f32 v59, v58;
	[tilespmem:s11+$0xAF10] =	vst v2  }
0xa8: {  	v62 =	vadd.f32 v60, v58;
	[tilespmem:s11+$0x11310] =	vst v3  }
0xa9: {  	v63 =	vadd.f32 v61, v1;
	[tilespmem:s11+$0xAF20] =	vst v0  }
0xaa: {  	[tilespmem:s11+$0x11320] =	vst v62  }
0xab: {  	[tilespmem:s11+$0xAF30] =	vst v63;
	s11 =	sadd.s32 s1, s8  }
0xac: {  	[hbm4b:s11+s6] =	stream.linear.scatter [tilespmem:s28], [sflag:$0x6], $0x3200, $0x38;
	[tilespmem:$0x1A900] =	vst v63  }
.Ltmp4:
0xad: {  	s31 =	sadd.s32 s4, s8;
	(pc) =	sbr.rel @p1 .LBB2_8-.Ltmp4, $4  }
0xae: {  	[hbm4b:s31+s6] =	stream.linear.scatter [tilespmem:s29], [sflag:$0x8], $0x3200, $0x38;
	[tilespmem:$0x1A900] =	vst v63  }
0xaf: {  	_ =	swait.ge [sflag:s30], $0x3200  }
0xb0: {  	[sflag:s30] =	ssyncset.done $0x0  }
0xb1: {  	[sflag:s30] =	ssyncadd.s32 $0xFFFFCE00  }
.Ltmp5:
0xb2: {  	(pc) =	sbr.rel .LBB2_2-.Ltmp5, $4  }
0xb3: {  	s8 =	sadd.s32 $0x258, s20  }
0xb4: {  	[tilespmem:s19], [sflag:$0x2] =	stream.indirect.gather [hbm4b:s7+s14], $0x40, s8, s14, $0xb8;
	[tilespmem:$0x1A900] =	vst v63  }
0xb5: {  	s31 =	sadd.s32 $0x2C0, s20;
	s18 =	sadd.s32 $0x1, s18  }
0xb6: {  	[tilespmem:s21], [sflag:$0x2] =	stream.indirect.gather [hbm4b:s7+s16], $0x40, s31, s16, $0xb8;
	[tilespmem:$0x1A900] =	vst v63  }
.LBB2_9:
0xb7: {  	_ =	sfence.sel $0x180000  }
0xb8: {  	[bflag:$0x0] =	sbarrier.arrive $0xFFFF  }
0xb9: {  	_ =	strace $0x90000047  }
0xba: {  	s0 =	stileid.u32;
	[bflag:$0x2] =	sbarrier.arrive $0xFFFF  }
0xbb: {  	p0 =	sne.s32 s0, $0x0;
	s0 =	rddreg [dreg:$0x4]  }
0xbc: {  	s0 =	sadd.s32 @!p0 $0x100000, s0  }
0xbd: {  	[sflag:s0] =	ssyncadd.tile.s32 @!p0 $0x1;
	_ =	shalt  }
.Lfunc_end2:
_tile_overlayer_lowered:
.L_overlay_start_2:
0xbe: {  	(tag) =	ssettag $0x2  }
0xbf: {  	s0 =	rddreg [dreg:$0x0];
	s2 =	stileid.u32  }
0xc0: {  	s1 =	rddreg [dreg:$0x1];
	p0 =	sne.s32 s2, $0x0  }
0xc1: {  	s3 =	rddreg [dreg:$0x2];
	[bflag:$0x3] =	sbarrier.arrive $0xFFFF;
	s2 =	simm.s32 @!p0 $0x1C09  }
0xc2: {  	[timem:s3], [sflag:s2] =	dma.local @!p0 [hbm:s0], s1  }
0xc3: {  	s0 =	simm.s32 @!p0 $0x9  }
0xc4: {  	_ =	swait.ge @!p0 [sflag:s0], s1  }
0xc5: {  	s1 =	ssub.s32 @!p0 $0x0, s1;
	[sflag:s0] =	ssyncset.done @!p0 $0x0  }
0xc6: {  	[sflag:s0] =	ssyncadd.s32 @!p0 s1  }
0xc7: {  	[bflag:$0x3] =	sbarrier.arrive $0xFFFF  }
0xc8: {  	_ =	shalt  }

// kernel: sparse-core-data-format-call.1.cloned.1.call-start
scs
called_computation.1_lowered:
.L_overlay_start_0:
0x0: {  	s2 =	sld [smem:$0x3FD9]  }
0x1: {  	s3 =	sld [smem:$0x3FFE];
	_ =	sdelay $0x1  }
0x2: {  	s1 =	srdreg.scid  }
0x3: {  	s0 =	sand.u32 $0x1, s1  }
0x4: {  	s15 =	sshll.u32 s0, $0xA;
	s2 =	sadd.s32 s3, s2  }
0x5: {  	s2 =	sadd.s32 s2, s15  }
0x6: {  	[smem:$0x3FC5] =	sst s2  }
0x7: {  	_ = 	snop  }
0x8: {  	s2 =	sld [smem:$0x3FD0];
	_ =	sdelay $0x2  }
0x9: {  	s16 =	simm.s32 $0xC;
	s4 =	simm.s32 $0x10  }
0xa: {  	[smem:s4], [sflag:s16] =	dma.local [hbm:s2], $0x1  }
0xb: {  	_ =	swait.eq [sflag:s16], $0x1  }
0xc: {  	[sflag:s16] =	ssyncset.done $0x0  }
0xd: {  	[sflag:s16] =	ssyncadd.s32 $0xFFFFFFFF  }
0xe: {  	s17 =	sld [smem:$0x11];
	(tm) =	ssettm $0x1  }
0xf: {  	s18 =	sld [smem:$0x3FFB];
	_ =	sdelay $0x3  }
0x10: {  	_ =	strace s18  }
0x11: {  	s3 =	sld [smem:$0x3FFC];
	_ =	sdelay $0x3  }
0x12: {  	_ =	strace s3  }
0x13: {  	s3 =	sld [smem:$0x3FFD];
	_ =	sdelay $0x3  }
0x14: {  	_ =	strace s3  }
0x15: {  	_ =	strace $0x8FFFFFFF  }
0x16: {  	s19 =	sld [smem:$0x3FDB];
	_ =	sdelay $0x1  }
0x17: {  	s20 =	simm.s32 $_scs_section_size  }
0x18: {  	s5 =	simm.s32 $_size__tile_overlayer_lowered;
	s6 =	simm.s32 $_tile_overlayer_lowered  }
0x19: {  	s23 =	simm.s32 $0x1BFF;
	s22 =	sshll.u32 s6, $0x1;
	s3 =	sadd.s32 s20, s19  }
0x1a: {  	s7 =	simm.s32 $0x0;
	s21 =	sshll.u32 s5, $0x1;
	s5 =	sadd.s32 s22, s3  }
0x1b: {  	[timem:s7], [sflag:s23] =	dma.local [hbm:s5], s21  }
0x1c: {  	_ =	swait.ge [sflag:s23], s21  }
0x1d: {  	s4 =	ssub.s32 $0x0, s21;
	[sflag:s23] =	ssyncset.done $0x0  }
0x1e: {  	[sflag:s23] =	ssyncadd.s32 s4;
	_ =	sdelay $0x1  }
0x1f: {  	s24 =	simm.s32 $0x1B8B  }
0x20: {  	_ =	swait.ge [sflag:s24], $0x1  }
0x21: {  	[sflag:s24] =	ssyncset.done $0x0  }
0x22: {  	s26 =	simm.s32 $0x1B8E;
	s25 =	sld [smem:$0x3FFE];
	[sflag:s24] =	ssyncadd.s32 $0xFFFFFFFF  }
0x23: {  	s27 =	simm.s32 $execute0_lowered;
	[smem:$0x3FD2] =	sst s26  }
0x24: {  	s5 =	sshll.u32 s27, $0x1;
	_ =	strace $0x80000049;
	[dreg:$0x1] =	wrdreg $0xFFFFFFFF  }
0x25: {  	s28 =	simm.s32 $_size_execute0_lowered;
	s3 =	sadd.s32 s3, s5;
	[dreg:$0x0] =	wrdreg $0x0  }
0x26: {  	s5 =	sshll.u32 s28, $0x1;
	[dreg:$0x2] =	wrdreg s3  }
0x27: {  	[dreg:$0x3] =	wrdreg s5  }
0x28: {  	[dreg:$0x4] =	wrdreg $0xC0  }
0x29: {  	_ =	task [dreg:s7], $0x5FFFF  }
0x2a: {  	[dreg:$0x1] =	wrdreg $0xFFFFFFFF  }
0x2b: {  	[dreg:$0x0] =	wrdreg $0x60  }
0x2c: {  	[dreg:$0x2] =	wrdreg s25  }
0x2d: {  	[dreg:$0x3] =	wrdreg s17  }
0x2e: {  	[dreg:$0x4] =	wrdreg $0xA  }
0x2f: {  	_ =	task.clear_ibuf [dreg:s7], $0x5FFFF;
	_ =	strace $0x90000049  }
0x30: {  	s29 =	simm.s32 $0xA;
	_ =	strace $0x8000004B  }
0x31: {  	_ =	swait.ge [sflag:s29], $0x1  }
0x32: {  	[sflag:s29] =	ssyncadd.s32 $0xFFFFFFFF  }
0x33: {  	_ =	strace $0x9000004B  }
0x34: {  	_ =	sfence  }
0x35: {  	s30 =	sld [smem:$0x0];
	_ =	sdelay $0x2  }
0x36: {  	s31 =	sshll.u32 s1, $0xD;
	s1 =	sshrl.u32 s1, $0x2  }
0x37: {  	s3 =	sand.u32 $0x4000, s31;
	s1 =	sadd.s32 s1, s30  }
0x38: {  	s0 =	sor.u32 s3, s0;
	s1 =	sshll.u32 s1, $0x11  }
0x39: {  	s0 =	sor.u32 s1, s0  }
0x3a: {  	s0 =	sadd.s32 $0x8F2B, s0  }
0x3b: {  	[sflag:s0] =	ssyncadd.remote.s32 $0x1  }
0x3c: {  	_ =	sfence.sel $0xFFFF  }
0x3d: {  	[dreg:$0x0] =	wrdreg $0xFFFFFFFF;
	(pc) =	sbr.abs _section_cstart, $3  }
0x3e: {  	[dreg:$0x1] =	wrdreg $0xFFFFFFFF  }
0x3f: {  	_ =	task.clear_ibuf [dreg:s7], $0x2FFFF;
	_ =	strace $0x9FFFFFFF  }
0x40: {  	(tm) =	ssettm $0x7FFFFFFF  }
0x41: {  	_ =	shalt  }
tec
execute0_lowered:
.L_overlay_start_1:
0x0: {  	(tag) =	ssettag $0x1  }
0x1: {  	s0 =	stileid.u32;
	s6 =	rddreg [dreg:$0x0]  }
0x2: {  	s2 =	rddreg [dreg:$0x1];
	s5 =	srdreg.scid  }
0x3: {  	s31 =	simm.s32 $0x2;
	s13 =	simm.s32 $0x0;
	s1 =	sshll.u32 s0, $0x7  }
0x4: {  	s14 =	simm.s32 $0x0;
	s12 =	simm.s32 $0x0;
	s3 =	sand.u32 $0x380, s1  }
0x5: {  	s5 =	sshll.u32 s5, $0x4;
	s6 =	sadd.s32 $0x1000, s6;
	s4 =	ssub.s32 $0x400, s3  }
0x6: {  	s1 =	rddreg [dreg:$0x2];
	_ =	strace $0x8000004A;
	s7 =	sand.u32 $0x380, s4  }
0x7: {  	s5 =	sand.u32 $0x10, s5;
	p0 =	sne.s32 s7, $0x0;
	s7 =	simm.s32 $0x1  }
.Ltmp0:
0x8: {  	s8 =	sshrl.u32 s4, $0xA;
	s7 =	simm.s32 @!p0 $0x0;
	(pc) =	sbr.rel .LBB1_1-.Ltmp0, $4  }
0x9: {  	s9 =	sor.u32 s0, s5;
	s4 =	simm.s32 $0x1;
	s30 =	sadd.s32 s7, s8  }
0xa: {  	s11 =	smov.u32 s3;
	[sflag:s4] =	ssyncpa.u1 $0x0;
	s5 =	smul.u32 $0x32, s30  }
0xb: {  	[sflag:s31] =	ssyncpa.u1 $0x0;
	p0 =	por $0x0, $0x0;
	s7 =	sshrl.u32 s9, $0x3  }
0xc: {  	s9 =	simm.s32 $0x2000;
	s10 =	smov.u32 s7;
	s8 =	sor.u32 $0x1, s5  }
.LBB1_4:
0xd: {  	s17 =	sand.u32 $0x1F80, s14;
	s13 =	sshll.u32 s13, $0xD  }
0xe: {  	[tilespmem:s16+$0x810 ss:$0x81] =	vst.msk $0xffff, v2;
	s18 =	sshrl.u32 s14, $0x3;
	s31 =	sand.u32 $0x7, s14;
	s17 =	sadd.s32 s2, s17  }
0xf: {  	[tilespmem:s16+$0x1020 ss:$0x81] =	vst.msk $0xffff, v0;
	s18 =	sand.u32 $0xF, s18;
	s14 =	sshll.u32 s31, $0x12;
	s13 =	sadd.s32 s13, s17  }
0x10: {  	[tilespmem:s16+$0x0 ss:$0x81] =	vst.msk $0xffff, v1;
	s14 =	sor.u32 $0x400, s14;
	s13 =	sadd.s32 s18, s13  }
0x11: {  	[hbm4b:s13+s14] =	stream.strided.scatter [tilespmem:s15], [sflag:$0x2], $0x2000, s9, s14, $0x20;
	[tilespmem:$0x8080] =	vst v63  }
.LBB1_5:
0x12: {  	s15 =	sadd.s32 $0x4, s10  }
0x13: {  	s13 =	sadd.s32 $0x400, s11;
	s17 =	smov.u32 s11;
	p2 =	sgt.s32 s15, $0xC7  }
0x14: {  	s17 =	smov.u32 @p2 s13  }
0x15: {  	s15 =	smov.u32 @p2 s7;
	p2 =	sgt.s32 s17, $0x3FF  }
0x16: {  	s17 =	smov.u32 @p2 s3;
	p2 =	sne.s32 s12, s8  }
.Ltmp1:
0x17: {  	p1 =	slt.u32 s12, $0x2;
	(pc) =	sbr.rel @!p2 .LBB1_6-.Ltmp1, $4  }
0x18: {  	s16 =	simm.s32 @!p1 $0x2  }
0x19: {  	s14 =	smov.u32 s11;
	p0 =	por !p0, !p0;
	_ =	swait.ge @!p1 [sflag:s16], $0x2000  }
0x1a: {  	s13 =	smov.u32 s10;
	[sflag:s16] =	ssyncset.done @!p1 $0x0;
	s10 =	smov.u32 s15  }
0x1b: {  	s12 =	sadd.s32 $0x1, s12;
	[sflag:s16] =	ssyncadd.s32 @!p1 $0xFFFFE000;
	s11 =	smov.u32 s17  }
.LBB1_1:
0x1c: {  	p1 =	sge.u32 s12, s5  }
0x1d: {  	s15 =	sand.u32 @!p1 $0x1FFFFFF, s10  }
0x1e: {  	s16 =	smulhi.u32 @!p1 $0x147AE15, s15;
	_ =	sdelay $0x1  }
0x1f: {  	s16 =	smul.u32 @!p1 $0xC8, s16  }
0x20: {  	s17 =	sxor.u32 @!p1 $0xFFFFFFFF, s12;
	s18 =	smul.u32 @!p1 $0xC80, s11  }
0x21: {  	s31 =	sadd.s32 $0xFFFFFFFF, s12;
	s17 =	sshll.u32 @!p1 s17, $0xD;
	s15 =	ssub.s32 @!p1 s15, s16  }
0x22: {  	s16 =	sand.u32 @!p1 $0x2000, s17;
	s17 =	sadd.s32 @!p1 s6, s18;
	s15 =	sshll.u32 @!p1 s15, $0x4  }
0x23: {  	s18 =	simm.s32 @!p1 $0x6400;
	s15 =	sadd.s32 @!p1 s15, s17;
	s17 =	simm.s32 @!p1 $0x40  }
0x24: {  	[tilespmem:s16], [sflag:$0x1] =	stream.strided.gather @!p1 [hbm4b:s15+s17], $0x2000, s18, s17, $0x38;
	[tilespmem:$0x8080] =	vst v63  }
0x25: {  	p1 =	sge.u32 s31, s5  }
.Ltmp2:
0x26: {  	_ = 	snop;
	(pc) =	sbr.rel @p1 .LBB1_5-.Ltmp2, $1  }
0x27: {  	_ =	sdelay $0x3  }
0x28: {  	s15 =	simm.s32 $0x1  }
0x29: {  	_ =	swait.ge [sflag:s4], $0x2000;
	s15 =	simm.s32 @!p0 $0x0  }
0x2a: {  	[sflag:s4] =	ssyncset.done $0x0;
	s16 =	sshll.u32 s15, $0xD  }
0x2b: {  	[sflag:s4] =	ssyncadd.s32 $0xFFFFE000;
	s19 =	sor.u32 $0x20, s16  }
0x2c: {  	s15 =	smul.u32 $0x8100, s15;
	v3 =	vld [tilespmem:s19+$0x10]  }
0x2d: {  	s30 =	sand.u32 $0x1, s12;
	v2 =	vld [tilespmem:s19+$0xFFFFFFF0]  }
0x2e: {  	s16 =	smul.u32 $0x8100, s30;
	s15 =	sshrl.u32 s15, $0x2;
	v0 =	vld [tilespmem:s19+$0x0]  }
0x2f: {  	v1 =	vld [tilespmem:s19+$0xFFFFFFE0];
	s17 =	sor.u32 $0x4000, s15  }
0x30: {  	s31 =	sshrl.u32 s16, $0x2;
	s16 =	sadd.s32 $0x0, s17  }
0x31: {  	s18 =	simm.s32 $0x4;
	s19 =	sadd.s32 $0x40, s19;
	s15 =	sor.u32 $0x4000, s31;
	[tilespmem:s16+$0x1830 ss:$0x81] =	vst.msk $0xffff, v3  }
.LBB1_3:
0x32: {  	v3 =	vld [tilespmem:s19+$0x10];
	p1 =	sne.s32 s18, $0x1FC;
	[tilespmem:s16+$0x810 ss:$0x81] =	vst.msk $0xffff, v2;
	s20 =	smov.u32 s18;
	s18 =	sadd.s32 $0x4, s18  }
.Ltmp3:
0x33: {  	v2 =	vld [tilespmem:s19+$0xFFFFFFF0];
	[tilespmem:s16+$0x1020 ss:$0x81] =	vst.msk $0xffff, v0;
	(pc) =	sbr.rel @p1 .LBB1_3-.Ltmp3, $4  }
0x34: {  	v0 =	vld [tilespmem:s19+$0x0];
	[tilespmem:s16+$0x0 ss:$0x81] =	vst.msk $0xffff, v1  }
0x35: {  	s16 =	sshra.s32 s20, $0x2;
	v1 =	vld [tilespmem:s19+$0xFFFFFFE0]  }
0x36: {  	s16 =	sadd.s32 s16, s17  }
0x37: {  	s19 =	sadd.s32 $0x40, s19;
	[tilespmem:s16+$0x1830 ss:$0x81] =	vst.msk $0xffff, v3  }
.Ltmp4:
0x38: {  	_ = 	snop;
	(pc) =	sbr.rel .LBB1_4-.Ltmp4, $1  }
0x39: {  	_ =	sdelay $0x3  }
.LBB1_6:
0x3a: {  	_ =	sfence.sel $0x180000  }
0x3b: {  	s2 =	simm.s32 $0x1;
	[bflag:$0x0] =	sbarrier.arrive $0xFFFF  }
0x3c: {  	s31 =	simm.s32 $0x2;
	[sflag:s2] =	ssyncpa.u1 $0x1  }
0x3d: {  	[sflag:s31] =	ssyncpa.u1 $0x1  }
0x3e: {  	p0 =	sne.s32 s0, $0x0;
	_ =	strace $0x9000004A  }
0x3f: {  	s0 =	sadd.s32 @!p0 $0x100000, s1;
	[bflag:$0x2] =	sbarrier.arrive $0xFFFF  }
0x40: {  	[sflag:s0] =	ssyncadd.tile.s32 @!p0 $0x1;
	_ =	shalt  }
.Lfunc_end1:
_tile_overlayer_lowered:
.L_overlay_start_2:
0x41: {  	(tag) =	ssettag $0x2  }
0x42: {  	s0 =	rddreg [dreg:$0x0];
	s2 =	stileid.u32  }
0x43: {  	s1 =	rddreg [dreg:$0x1];
	p0 =	sne.s32 s2, $0x0  }
0x44: {  	s3 =	rddreg [dreg:$0x2];
	[bflag:$0x3] =	sbarrier.arrive $0xFFFF;
	s2 =	simm.s32 @!p0 $0x1C01  }
0x45: {  	[timem:s3], [sflag:s2] =	dma.local @!p0 [hbm:s0], s1  }
0x46: {  	s0 =	simm.s32 @!p0 $0x1  }
0x47: {  	_ =	swait.ge @!p0 [sflag:s0], s1  }
0x48: {  	s1 =	ssub.s32 @!p0 $0x0, s1;
	[sflag:s0] =	ssyncset.done @!p0 $0x0  }
0x49: {  	[sflag:s0] =	ssyncadd.s32 @!p0 s1  }
0x4a: {  	[bflag:$0x3] =	sbarrier.arrive $0xFFFF  }
0x4b: {  	_ =	shalt  }

// kernel: sparse-core-data-format-call.2.cloned.1.call-start
scs
called_computation.2_lowered:
.L_overlay_start_0:
0x0: {  	s2 =	sld [smem:$0x3FD9]  }
0x1: {  	s3 =	sld [smem:$0x3FFE];
	_ =	sdelay $0x1  }
0x2: {  	s1 =	srdreg.scid  }
0x3: {  	s0 =	sand.u32 $0x1, s1  }
0x4: {  	s16 =	sshll.u32 s0, $0xA;
	s2 =	sadd.s32 s3, s2  }
0x5: {  	s2 =	sadd.s32 s2, s16  }
0x6: {  	[smem:$0x3FC5] =	sst s2  }
0x7: {  	_ = 	snop  }
0x8: {  	s2 =	sld [smem:$0x3FD0];
	_ =	sdelay $0x2  }
0x9: {  	s17 =	simm.s32 $0xC;
	s4 =	simm.s32 $0x10  }
0xa: {  	[smem:s4], [sflag:s17] =	dma.local [hbm:s2], $0x1  }
0xb: {  	_ =	swait.eq [sflag:s17], $0x1  }
0xc: {  	[sflag:s17] =	ssyncset.done $0x0  }
0xd: {  	[sflag:s17] =	ssyncadd.s32 $0xFFFFFFFF  }
0xe: {  	s18 =	sld [smem:$0x10];
	(tm) =	ssettm $0x1  }
0xf: {  	s19 =	sld [smem:$0x3FFB];
	_ =	sdelay $0x3  }
0x10: {  	_ =	strace s19  }
0x11: {  	s2 =	sld [smem:$0x3FFC];
	_ =	sdelay $0x3  }
0x12: {  	_ =	strace s2  }
0x13: {  	s2 =	sld [smem:$0x3FFD];
	_ =	sdelay $0x3  }
0x14: {  	_ =	strace s2  }
0x15: {  	_ =	strace $0x8FFFFFFF  }
0x16: {  	s20 =	sld [smem:$0x3FDB];
	_ =	sdelay $0x1  }
0x17: {  	s21 =	simm.s32 $_scs_section_size  }
0x18: {  	s5 =	simm.s32 $_size__tile_overlayer_lowered;
	s6 =	simm.s32 $_tile_overlayer_lowered  }
0x19: {  	s7 =	simm.s32 $0x1BFF;
	s22 =	sshll.u32 s6, $0x1;
	s4 =	sadd.s32 s21, s20  }
0x1a: {  	s23 =	simm.s32 $0x0;
	s5 =	sshll.u32 s5, $0x1;
	s6 =	sadd.s32 s22, s4  }
0x1b: {  	[timem:s23], [sflag:s7] =	dma.local [hbm:s6], s5  }
0x1c: {  	_ =	swait.ge [sflag:s7], s5  }
0x1d: {  	s5 =	ssub.s32 $0x0, s5;
	[sflag:s7] =	ssyncset.done $0x0  }
0x1e: {  	[sflag:s7] =	ssyncadd.s32 s5;
	_ =	sdelay $0x1  }
0x1f: {  	s24 =	simm.s32 $0x1B8B  }
0x20: {  	_ =	swait.ge [sflag:s24], $0x1  }
0x21: {  	[sflag:s24] =	ssyncset.done $0x0  }
0x22: {  	[sflag:s24] =	ssyncadd.s32 $0xFFFFFFFF  }
0x23: {  	s5 =	sld [smem:$0x0]  }
0x24: {  	s6 =	sand.u32 $0xFFFFFFFE, s1  }
0x25: {  	p0 =	sne.s32 s1, s6  }
0x26: {  	s6 =	sshll.u32 @p0 s6, $0xE  }
0x27: {  	s6 =	sadd.s32 @p0 $0x11B8D, s6;
	s7 =	sshll.u32 @p0 s5, $0x11  }
0x28: {  	s6 =	sor.u32 @p0 s7, s6  }
0x29: {  	[sflag:s6] =	ssyncadd.remote.s32 @p0 $0x1;
	_ =	sdelay $0x1  }
0x2a: {  	s6 =	simm.s32 @p0 $0x1B8D  }
0x2b: {  	_ =	swait.eq @p0 [sflag:s6], $0x1  }
0x2c: {  	[sflag:s6] =	ssyncadd.s32 @p0 $0xFFFFFFFF  }
0x2d: {  	s7 =	sshll.u32 @!p0 s1, $0xE  }
0x2e: {  	s7 =	sor.u32 @!p0 $0x4000, s7;
	s6 =	simm.s32 @!p0 $0x1B8D  }
0x2f: {  	s5 =	sshll.u32 @!p0 s5, $0x11;
	s7 =	sadd.s32 @!p0 $0x11B8D, s7;
	_ =	swait.eq @!p0 [sflag:s6], $0x1  }
0x30: {  	s5 =	sor.u32 @!p0 s5, s7;
	[sflag:s6] =	ssyncadd.s32 @!p0 $0xFFFFFFFF  }
0x31: {  	s26 =	simm.s32 $0x1B8E;
	s25 =	sld [smem:$0x3FFE];
	[sflag:s5] =	ssyncadd.remote.s32 @!p0 $0x1  }
0x32: {  	s27 =	simm.s32 $execute0_lowered;
	[smem:$0x3FD2] =	sst s26  }
0x33: {  	s6 =	sshll.u32 s27, $0x1;
	_ =	strace $0x8000004C;
	[dreg:$0x1] =	wrdreg $0xFFFFFFFF  }
0x34: {  	s28 =	simm.s32 $_size_execute0_lowered;
	s4 =	sadd.s32 s4, s6;
	[dreg:$0x0] =	wrdreg $0x0  }
0x35: {  	s6 =	sshll.u32 s28, $0x1;
	[dreg:$0x2] =	wrdreg s4  }
0x36: {  	[dreg:$0x3] =	wrdreg s6  }
0x37: {  	[dreg:$0x4] =	wrdreg $0xC0  }
0x38: {  	_ =	task [dreg:s23], $0x5FFFF  }
0x39: {  	[dreg:$0x1] =	wrdreg $0xFFFFFFFF  }
0x3a: {  	[dreg:$0x0] =	wrdreg $0x60  }
0x3b: {  	[dreg:$0x2] =	wrdreg s25  }
0x3c: {  	[dreg:$0x3] =	wrdreg s18  }
0x3d: {  	[dreg:$0x4] =	wrdreg $0xB  }
0x3e: {  	_ =	task.clear_ibuf [dreg:s23], $0x5FFFF;
	_ =	strace $0x9000004C  }
0x3f: {  	s29 =	simm.s32 $0xB;
	_ =	strace $0x8000004E  }
0x40: {  	_ =	swait.ge [sflag:s29], $0x1  }
0x41: {  	[sflag:s29] =	ssyncadd.s32 $0xFFFFFFFF  }
0x42: {  	_ =	strace $0x9000004E  }
0x43: {  	_ =	sfence  }
0x44: {  	s30 =	sld [smem:$0x0];
	_ =	sdelay $0x2  }
0x45: {  	s31 =	sshll.u32 s1, $0xD;
	s1 =	sshrl.u32 s1, $0x2  }
0x46: {  	s4 =	sand.u32 $0x4000, s31;
	s1 =	sadd.s32 s1, s30  }
0x47: {  	s0 =	sor.u32 s4, s0;
	s1 =	sshll.u32 s1, $0x11  }
0x48: {  	s0 =	sor.u32 s1, s0  }
0x49: {  	s0 =	sadd.s32 $0x8F2B, s0  }
0x4a: {  	[sflag:s0] =	ssyncadd.remote.s32 $0x1  }
0x4b: {  	_ =	sfence.sel $0xFFFF  }
0x4c: {  	[dreg:$0x0] =	wrdreg $0xFFFFFFFF;
	(pc) =	sbr.abs _section_cstart, $3  }
0x4d: {  	[dreg:$0x1] =	wrdreg $0xFFFFFFFF  }
0x4e: {  	_ =	task.clear_ibuf [dreg:s23], $0x2FFFF;
	_ =	strace $0x9FFFFFFF  }
0x4f: {  	(tm) =	ssettm $0x7FFFFFFF  }
tec
execute0_lowered:
.L_overlay_start_1:
0x0: {  	(tag) =	ssettag $0x1  }
0x1: {  	s0 =	stileid.u32;
	s6 =	rddreg [dreg:$0x0]  }
0x2: {  	s2 =	rddreg [dreg:$0x1];
	s5 =	srdreg.scid  }
0x3: {  	s31 =	simm.s32 $0x2;
	s13 =	simm.s32 $0x0;
	s1 =	sshll.u32 s0, $0x7  }
0x4: {  	s14 =	simm.s32 $0x0;
	s12 =	simm.s32 $0x0;
	s3 =	sand.u32 $0x380, s1  }
0x5: {  	s5 =	sshll.u32 s5, $0x4;
	s6 =	sadd.s32 $0x321000, s6;
	s4 =	ssub.s32 $0x400, s3  }
0x6: {  	s1 =	rddreg [dreg:$0x2];
	_ =	strace $0x8000004D;
	s7 =	sand.u32 $0x380, s4  }
0x7: {  	s5 =	sand.u32 $0x10, s5;
	p0 =	sne.s32 s7, $0x0;
	s7 =	simm.s32 $0x1  }
.Ltmp0:
0x8: {  	s8 =	sshrl.u32 s4, $0xA;
	s7 =	simm.s32 @!p0 $0x0;
	(pc) =	sbr.rel .LBB1_1-.Ltmp0, $4  }
0x9: {  	s9 =	sor.u32 s0, s5;
	s4 =	simm.s32 $0x1;
	s30 =	sadd.s32 s7, s8  }
0xa: {  	s11 =	smov.u32 s3;
	[sflag:s4] =	ssyncpa.u1 $0x0;
	s5 =	smul.u32 $0x32, s30  }
0xb: {  	[sflag:s31] =	ssyncpa.u1 $0x0;
	p0 =	por $0x0, $0x0;
	s7 =	sshrl.u32 s9, $0x3  }
0xc: {  	s9 =	simm.s32 $0x2000;
	s10 =	smov.u32 s7;
	s8 =	sor.u32 $0x1, s5  }
.LBB1_4:
0xd: {  	s17 =	sand.u32 $0x1F80, s14;
	s13 =	sshll.u32 s13, $0xD  }
0xe: {  	[tilespmem:s16+$0x810 ss:$0x81] =	vst.msk $0xffff, v2;
	s18 =	sshrl.u32 s14, $0x3;
	s31 =	sand.u32 $0x7, s14;
	s17 =	sadd.s32 s2, s17  }
0xf: {  	[tilespmem:s16+$0x1020 ss:$0x81] =	vst.msk $0xffff, v0;
	s18 =	sand.u32 $0xF, s18;
	s14 =	sshll.u32 s31, $0x12;
	s13 =	sadd.s32 s13, s17  }
0x10: {  	[tilespmem:s16+$0x0 ss:$0x81] =	vst.msk $0xffff, v1;
	s14 =	sor.u32 $0x400, s14;
	s13 =	sadd.s32 s18, s13  }
0x11: {  	[hbm4b:s13+s14] =	stream.strided.scatter [tilespmem:s15], [sflag:$0x2], $0x2000, s9, s14, $0x20;
	[tilespmem:$0x8080] =	vst v63  }
.LBB1_5:
0x12: {  	s15 =	sadd.s32 $0x4, s10  }
0x13: {  	s13 =	sadd.s32 $0x400, s11;
	s17 =	smov.u32 s11;
	p2 =	sgt.s32 s15, $0xC7  }
0x14: {  	s17 =	smov.u32 @p2 s13  }
0x15: {  	s15 =	smov.u32 @p2 s7;
	p2 =	sgt.s32 s17, $0x3FF  }
0x16: {  	s17 =	smov.u32 @p2 s3;
	p2 =	sne.s32 s12, s8  }
.Ltmp1:
0x17: {  	p1 =	slt.u32 s12, $0x2;
	(pc) =	sbr.rel @!p2 .LBB1_6-.Ltmp1, $4  }
0x18: {  	s16 =	simm.s32 @!p1 $0x2  }
0x19: {  	s14 =	smov.u32 s11;
	p0 =	por !p0, !p0;
	_ =	swait.ge @!p1 [sflag:s16], $0x2000  }
0x1a: {  	s13 =	smov.u32 s10;
	[sflag:s16] =	ssyncset.done @!p1 $0x0;
	s10 =	smov.u32 s15  }
0x1b: {  	s12 =	sadd.s32 $0x1, s12;
	[sflag:s16] =	ssyncadd.s32 @!p1 $0xFFFFE000;
	s11 =	smov.u32 s17  }
.LBB1_1:
0x1c: {  	p1 =	sge.u32 s12, s5  }
0x1d: {  	s15 =	sand.u32 @!p1 $0x1FFFFFF, s10  }
0x1e: {  	s16 =	smulhi.u32 @!p1 $0x147AE15, s15;
	_ =	sdelay $0x1  }
0x1f: {  	s16 =	smul.u32 @!p1 $0xC8, s16  }
0x20: {  	s17 =	sxor.u32 @!p1 $0xFFFFFFFF, s12;
	s18 =	smul.u32 @!p1 $0xC80, s11  }
0x21: {  	s31 =	sadd.s32 $0xFFFFFFFF, s12;
	s17 =	sshll.u32 @!p1 s17, $0xD;
	s15 =	ssub.s32 @!p1 s15, s16  }
0x22: {  	s16 =	sand.u32 @!p1 $0x2000, s17;
	s17 =	sadd.s32 @!p1 s6, s18;
	s15 =	sshll.u32 @!p1 s15, $0x4  }
0x23: {  	s18 =	simm.s32 @!p1 $0x6400;
	s15 =	sadd.s32 @!p1 s15, s17;
	s17 =	simm.s32 @!p1 $0x40  }
0x24: {  	[tilespmem:s16], [sflag:$0x1] =	stream.strided.gather @!p1 [hbm4b:s15+s17], $0x2000, s18, s17, $0x38;
	[tilespmem:$0x8080] =	vst v63  }
0x25: {  	p1 =	sge.u32 s31, s5  }
.Ltmp2:
0x26: {  	_ = 	snop;
	(pc) =	sbr.rel @p1 .LBB1_5-.Ltmp2, $1  }
0x27: {  	_ =	sdelay $0x3  }
0x28: {  	s15 =	simm.s32 $0x1  }
0x29: {  	_ =	swait.ge [sflag:s4], $0x2000;
	s15 =	simm.s32 @!p0 $0x0  }
0x2a: {  	[sflag:s4] =	ssyncset.done $0x0;
	s16 =	sshll.u32 s15, $0xD  }
0x2b: {  	[sflag:s4] =	ssyncadd.s32 $0xFFFFE000;
	s19 =	sor.u32 $0x20, s16  }
0x2c: {  	s15 =	smul.u32 $0x8100, s15;
	v3 =	vld [tilespmem:s19+$0x10]  }
0x2d: {  	s30 =	sand.u32 $0x1, s12;
	v2 =	vld [tilespmem:s19+$0xFFFFFFF0]  }
0x2e: {  	s16 =	smul.u32 $0x8100, s30;
	s15 =	sshrl.u32 s15, $0x2;
	v0 =	vld [tilespmem:s19+$0x0]  }
0x2f: {  	v1 =	vld [tilespmem:s19+$0xFFFFFFE0];
	s17 =	sor.u32 $0x4000, s15  }
0x30: {  	s31 =	sshrl.u32 s16, $0x2;
	s16 =	sadd.s32 $0x0, s17  }
0x31: {  	s18 =	simm.s32 $0x4;
	s19 =	sadd.s32 $0x40, s19;
	s15 =	sor.u32 $0x4000, s31;
	[tilespmem:s16+$0x1830 ss:$0x81] =	vst.msk $0xffff, v3  }
.LBB1_3:
0x32: {  	v3 =	vld [tilespmem:s19+$0x10];
	p1 =	sne.s32 s18, $0x1FC;
	[tilespmem:s16+$0x810 ss:$0x81] =	vst.msk $0xffff, v2;
	s20 =	smov.u32 s18;
	s18 =	sadd.s32 $0x4, s18  }
.Ltmp3:
0x33: {  	v2 =	vld [tilespmem:s19+$0xFFFFFFF0];
	[tilespmem:s16+$0x1020 ss:$0x81] =	vst.msk $0xffff, v0;
	(pc) =	sbr.rel @p1 .LBB1_3-.Ltmp3, $4  }
0x34: {  	v0 =	vld [tilespmem:s19+$0x0];
	[tilespmem:s16+$0x0 ss:$0x81] =	vst.msk $0xffff, v1  }
0x35: {  	s16 =	sshra.s32 s20, $0x2;
	v1 =	vld [tilespmem:s19+$0xFFFFFFE0]  }
0x36: {  	s16 =	sadd.s32 s16, s17  }
0x37: {  	s19 =	sadd.s32 $0x40, s19;
	[tilespmem:s16+$0x1830 ss:$0x81] =	vst.msk $0xffff, v3  }
.Ltmp4:
0x38: {  	_ = 	snop;
	(pc) =	sbr.rel .LBB1_4-.Ltmp4, $1  }
0x39: {  	_ =	sdelay $0x3  }
.LBB1_6:
0x3a: {  	_ =	sfence.sel $0x180000  }
0x3b: {  	s2 =	simm.s32 $0x1;
	[bflag:$0x0] =	sbarrier.arrive $0xFFFF  }
0x3c: {  	s31 =	simm.s32 $0x2;
	[sflag:s2] =	ssyncpa.u1 $0x1  }
0x3d: {  	[sflag:s31] =	ssyncpa.u1 $0x1  }
0x3e: {  	p0 =	sne.s32 s0, $0x0;
	_ =	strace $0x9000004D  }
0x3f: {  	s0 =	sadd.s32 @!p0 $0x100000, s1;
	[bflag:$0x2] =	sbarrier.arrive $0xFFFF  }
0x40: {  	[sflag:s0] =	ssyncadd.tile.s32 @!p0 $0x1;
	_ =	shalt  }
.Lfunc_end1:
_tile_overlayer_lowered:
.L_overlay_start_2:
0x41: {  	(tag) =	ssettag $0x2  }
0x42: {  	s0 =	rddreg [dreg:$0x0];
	s2 =	stileid.u32  }
0x43: {  	s1 =	rddreg [dreg:$0x1];
	p0 =	sne.s32 s2, $0x0  }
0x44: {  	s3 =	rddreg [dreg:$0x2];
	[bflag:$0x3] =	sbarrier.arrive $0xFFFF;
	s2 =	simm.s32 @!p0 $0x1C01  }
0x45: {  	[timem:s3], [sflag:s2] =	dma.local @!p0 [hbm:s0], s1  }
0x46: {  	s0 =	simm.s32 @!p0 $0x1  }
0x47: {  	_ =	swait.ge @!p0 [sflag:s0], s1  }
0x48: {  	s1 =	ssub.s32 @!p0 $0x0, s1;
	[sflag:s0] =	ssyncset.done @!p0 $0x0  }
0x49: {  	[sflag:s0] =	ssyncadd.s32 @!p0 s1  }
0x4a: {  	[bflag:$0x3] =	sbarrier.arrive $0xFFFF  }
0x4b: {  	_ =	shalt  }

// kernel: sparse-core-data-format-call.cloned.1.call-start
scs
called_computation_lowered:
.L_overlay_start_0:
0x0: {  	s2 =	sld [smem:$0x3FD9]  }
0x1: {  	s3 =	sld [smem:$0x3FFE];
	_ =	sdelay $0x1  }
0x2: {  	s1 =	srdreg.scid  }
0x3: {  	s0 =	sand.u32 $0x1, s1  }
0x4: {  	s16 =	sshll.u32 s0, $0xA;
	s2 =	sadd.s32 s3, s2  }
0x5: {  	s2 =	sadd.s32 s2, s16  }
0x6: {  	[smem:$0x3FC5] =	sst s2  }
0x7: {  	_ = 	snop  }
0x8: {  	s2 =	sld [smem:$0x3FD0];
	_ =	sdelay $0x2  }
0x9: {  	s17 =	simm.s32 $0xC;
	s4 =	simm.s32 $0x10  }
0xa: {  	[smem:s4], [sflag:s17] =	dma.local [hbm:s2], $0x1  }
0xb: {  	_ =	swait.eq [sflag:s17], $0x1  }
0xc: {  	[sflag:s17] =	ssyncset.done $0x0  }
0xd: {  	[sflag:s17] =	ssyncadd.s32 $0xFFFFFFFF  }
0xe: {  	s18 =	sld [smem:$0x12];
	(tm) =	ssettm $0x1  }
0xf: {  	s19 =	sld [smem:$0x3FFB];
	_ =	sdelay $0x3  }
0x10: {  	_ =	strace s19  }
0x11: {  	s2 =	sld [smem:$0x3FFC];
	_ =	sdelay $0x3  }
0x12: {  	_ =	strace s2  }
0x13: {  	s2 =	sld [smem:$0x3FFD];
	_ =	sdelay $0x3  }
0x14: {  	_ =	strace s2  }
0x15: {  	_ =	strace $0x8FFFFFFF  }
0x16: {  	s20 =	sld [smem:$0x3FDB];
	_ =	sdelay $0x1  }
0x17: {  	s21 =	simm.s32 $_scs_section_size  }
0x18: {  	s5 =	simm.s32 $_size__tile_overlayer_lowered;
	s6 =	simm.s32 $_tile_overlayer_lowered  }
0x19: {  	s7 =	simm.s32 $0x1BFF;
	s22 =	sshll.u32 s6, $0x1;
	s4 =	sadd.s32 s21, s20  }
0x1a: {  	s23 =	simm.s32 $0x0;
	s5 =	sshll.u32 s5, $0x1;
	s6 =	sadd.s32 s22, s4  }
0x1b: {  	[timem:s23], [sflag:s7] =	dma.local [hbm:s6], s5  }
0x1c: {  	_ =	swait.ge [sflag:s7], s5  }
0x1d: {  	s5 =	ssub.s32 $0x0, s5;
	[sflag:s7] =	ssyncset.done $0x0  }
0x1e: {  	[sflag:s7] =	ssyncadd.s32 s5;
	_ =	sdelay $0x1  }
0x1f: {  	s24 =	simm.s32 $0x1B8B  }
0x20: {  	_ =	swait.ge [sflag:s24], $0x1  }
0x21: {  	[sflag:s24] =	ssyncset.done $0x0  }
0x22: {  	[sflag:s24] =	ssyncadd.s32 $0xFFFFFFFF  }
0x23: {  	s5 =	sld [smem:$0x0]  }
0x24: {  	s6 =	sand.u32 $0xFFFFFFFE, s1  }
0x25: {  	p0 =	sne.s32 s1, s6  }
0x26: {  	s6 =	sshll.u32 @p0 s6, $0xE  }
0x27: {  	s6 =	sadd.s32 @p0 $0x11B8D, s6;
	s7 =	sshll.u32 @p0 s5, $0x11  }
0x28: {  	s6 =	sor.u32 @p0 s7, s6  }
0x29: {  	[sflag:s6] =	ssyncadd.remote.s32 @p0 $0x1;
	_ =	sdelay $0x1  }
0x2a: {  	s6 =	simm.s32 @p0 $0x1B8D  }
0x2b: {  	_ =	swait.eq @p0 [sflag:s6], $0x1  }
0x2c: {  	[sflag:s6] =	ssyncadd.s32 @p0 $0xFFFFFFFF  }
0x2d: {  	s7 =	sshll.u32 @!p0 s1, $0xE  }
0x2e: {  	s7 =	sor.u32 @!p0 $0x4000, s7;
	s6 =	simm.s32 @!p0 $0x1B8D  }
0x2f: {  	s5 =	sshll.u32 @!p0 s5, $0x11;
	s7 =	sadd.s32 @!p0 $0x11B8D, s7;
	_ =	swait.eq @!p0 [sflag:s6], $0x1  }
0x30: {  	s5 =	sor.u32 @!p0 s5, s7;
	[sflag:s6] =	ssyncadd.s32 @!p0 $0xFFFFFFFF  }
0x31: {  	s26 =	simm.s32 $0x1B8E;
	s25 =	sld [smem:$0x3FFE];
	[sflag:s5] =	ssyncadd.remote.s32 @!p0 $0x1  }
0x32: {  	s27 =	simm.s32 $execute0_lowered;
	[smem:$0x3FD2] =	sst s26  }
0x33: {  	s6 =	sshll.u32 s27, $0x1;
	_ =	strace $0x8000004F;
	[dreg:$0x1] =	wrdreg $0xFFFFFFFF  }
0x34: {  	s28 =	simm.s32 $_size_execute0_lowered;
	s4 =	sadd.s32 s4, s6;
	[dreg:$0x0] =	wrdreg $0x0  }
0x35: {  	s6 =	sshll.u32 s28, $0x1;
	[dreg:$0x2] =	wrdreg s4  }
0x36: {  	[dreg:$0x3] =	wrdreg s6  }
0x37: {  	[dreg:$0x4] =	wrdreg $0xC0  }
0x38: {  	_ =	task [dreg:s23], $0x5FFFF  }
0x39: {  	[dreg:$0x1] =	wrdreg $0xFFFFFFFF  }
0x3a: {  	[dreg:$0x0] =	wrdreg $0x60  }
0x3b: {  	[dreg:$0x2] =	wrdreg s25  }
0x3c: {  	[dreg:$0x3] =	wrdreg s18  }
0x3d: {  	[dreg:$0x4] =	wrdreg $0x9  }
0x3e: {  	_ =	task.clear_ibuf [dreg:s23], $0x5FFFF;
	_ =	strace $0x9000004F  }
0x3f: {  	s29 =	simm.s32 $0x9;
	_ =	strace $0x80000051  }
0x40: {  	_ =	swait.ge [sflag:s29], $0x1  }
0x41: {  	[sflag:s29] =	ssyncadd.s32 $0xFFFFFFFF  }
0x42: {  	_ =	strace $0x90000051  }
0x43: {  	_ =	sfence  }
0x44: {  	s30 =	sld [smem:$0x0];
	_ =	sdelay $0x2  }
0x45: {  	s31 =	sshll.u32 s1, $0xD;
	s1 =	sshrl.u32 s1, $0x2  }
0x46: {  	s4 =	sand.u32 $0x4000, s31;
	s1 =	sadd.s32 s1, s30  }
0x47: {  	s0 =	sor.u32 s4, s0;
	s1 =	sshll.u32 s1, $0x11  }
0x48: {  	s0 =	sor.u32 s1, s0  }
0x49: {  	s0 =	sadd.s32 $0x8F2B, s0  }
0x4a: {  	[sflag:s0] =	ssyncadd.remote.s32 $0x1  }
0x4b: {  	_ =	sfence.sel $0xFFFF  }
0x4c: {  	[dreg:$0x0] =	wrdreg $0xFFFFFFFF;
	(pc) =	sbr.abs _section_cstart, $3  }
0x4d: {  	[dreg:$0x1] =	wrdreg $0xFFFFFFFF  }
0x4e: {  	_ =	task.clear_ibuf [dreg:s23], $0x2FFFF;
	_ =	strace $0x9FFFFFFF  }
0x4f: {  	(tm) =	ssettm $0x7FFFFFFF  }
tec
execute0_lowered:
.L_overlay_start_1:
0x0: {  	(tag) =	ssettag $0x1  }
0x1: {  	s0 =	stileid.u32;
	s6 =	rddreg [dreg:$0x0]  }
0x2: {  	s2 =	rddreg [dreg:$0x1];
	s5 =	srdreg.scid  }
0x3: {  	s31 =	simm.s32 $0x2;
	s13 =	simm.s32 $0x0;
	s1 =	sshll.u32 s0, $0x7  }
0x4: {  	s14 =	simm.s32 $0x0;
	s12 =	simm.s32 $0x0;
	s3 =	sand.u32 $0x380, s1  }
0x5: {  	s5 =	sshll.u32 s5, $0x4;
	s6 =	sadd.s32 $0x641000, s6;
	s4 =	ssub.s32 $0x400, s3  }
0x6: {  	s1 =	rddreg [dreg:$0x2];
	_ =	strace $0x80000050;
	s7 =	sand.u32 $0x380, s4  }
0x7: {  	s5 =	sand.u32 $0x10, s5;
	p0 =	sne.s32 s7, $0x0;
	s7 =	simm.s32 $0x1  }
.Ltmp0:
0x8: {  	s8 =	sshrl.u32 s4, $0xA;
	s7 =	simm.s32 @!p0 $0x0;
	(pc) =	sbr.rel .LBB1_1-.Ltmp0, $4  }
0x9: {  	s9 =	sor.u32 s0, s5;
	s4 =	simm.s32 $0x1;
	s30 =	sadd.s32 s7, s8  }
0xa: {  	s11 =	smov.u32 s3;
	[sflag:s4] =	ssyncpa.u1 $0x0;
	s5 =	smul.u32 $0x32, s30  }
0xb: {  	[sflag:s31] =	ssyncpa.u1 $0x0;
	p0 =	por $0x0, $0x0;
	s7 =	sshrl.u32 s9, $0x3  }
0xc: {  	s9 =	simm.s32 $0x2000;
	s10 =	smov.u32 s7;
	s8 =	sor.u32 $0x1, s5  }
.LBB1_4:
0xd: {  	s17 =	sand.u32 $0x1F80, s14;
	s13 =	sshll.u32 s13, $0xD  }
0xe: {  	[tilespmem:s16+$0x810 ss:$0x81] =	vst.msk $0xffff, v2;
	s18 =	sshrl.u32 s14, $0x3;
	s31 =	sand.u32 $0x7, s14;
	s17 =	sadd.s32 s2, s17  }
0xf: {  	[tilespmem:s16+$0x1020 ss:$0x81] =	vst.msk $0xffff, v0;
	s18 =	sand.u32 $0xF, s18;
	s14 =	sshll.u32 s31, $0x12;
	s13 =	sadd.s32 s13, s17  }
0x10: {  	[tilespmem:s16+$0x0 ss:$0x81] =	vst.msk $0xffff, v1;
	s14 =	sor.u32 $0x400, s14;
	s13 =	sadd.s32 s18, s13  }
0x11: {  	[hbm4b:s13+s14] =	stream.strided.scatter [tilespmem:s15], [sflag:$0x2], $0x2000, s9, s14, $0x20;
	[tilespmem:$0x8080] =	vst v63  }
.LBB1_5:
0x12: {  	s15 =	sadd.s32 $0x4, s10  }
0x13: {  	s13 =	sadd.s32 $0x400, s11;
	s17 =	smov.u32 s11;
	p2 =	sgt.s32 s15, $0xC7  }
0x14: {  	s17 =	smov.u32 @p2 s13  }
0x15: {  	s15 =	smov.u32 @p2 s7;
	p2 =	sgt.s32 s17, $0x3FF  }
0x16: {  	s17 =	smov.u32 @p2 s3;
	p2 =	sne.s32 s12, s8  }
.Ltmp1:
0x17: {  	p1 =	slt.u32 s12, $0x2;
	(pc) =	sbr.rel @!p2 .LBB1_6-.Ltmp1, $4  }
0x18: {  	s16 =	simm.s32 @!p1 $0x2  }
0x19: {  	s14 =	smov.u32 s11;
	p0 =	por !p0, !p0;
	_ =	swait.ge @!p1 [sflag:s16], $0x2000  }
0x1a: {  	s13 =	smov.u32 s10;
	[sflag:s16] =	ssyncset.done @!p1 $0x0;
	s10 =	smov.u32 s15  }
0x1b: {  	s12 =	sadd.s32 $0x1, s12;
	[sflag:s16] =	ssyncadd.s32 @!p1 $0xFFFFE000;
	s11 =	smov.u32 s17  }
.LBB1_1:
0x1c: {  	p1 =	sge.u32 s12, s5  }
0x1d: {  	s15 =	sand.u32 @!p1 $0x1FFFFFF, s10  }
0x1e: {  	s16 =	smulhi.u32 @!p1 $0x147AE15, s15;
	_ =	sdelay $0x1  }
0x1f: {  	s16 =	smul.u32 @!p1 $0xC8, s16  }
0x20: {  	s17 =	sxor.u32 @!p1 $0xFFFFFFFF, s12;
	s18 =	smul.u32 @!p1 $0xC80, s11  }
0x21: {  	s31 =	sadd.s32 $0xFFFFFFFF, s12;
	s17 =	sshll.u32 @!p1 s17, $0xD;
	s15 =	ssub.s32 @!p1 s15, s16  }
0x22: {  	s16 =	sand.u32 @!p1 $0x2000, s17;
	s17 =	sadd.s32 @!p1 s6, s18;
	s15 =	sshll.u32 @!p1 s15, $0x4  }
0x23: {  	s18 =	simm.s32 @!p1 $0x6400;
	s15 =	sadd.s32 @!p1 s15, s17;
	s17 =	simm.s32 @!p1 $0x40  }
0x24: {  	[tilespmem:s16], [sflag:$0x1] =	stream.strided.gather @!p1 [hbm4b:s15+s17], $0x2000, s18, s17, $0x38;
	[tilespmem:$0x8080] =	vst v63  }
0x25: {  	p1 =	sge.u32 s31, s5  }
.Ltmp2:
0x26: {  	_ = 	snop;
	(pc) =	sbr.rel @p1 .LBB1_5-.Ltmp2, $1  }
0x27: {  	_ =	sdelay $0x3  }
0x28: {  	s15 =	simm.s32 $0x1  }
0x29: {  	_ =	swait.ge [sflag:s4], $0x2000;
	s15 =	simm.s32 @!p0 $0x0  }
0x2a: {  	[sflag:s4] =	ssyncset.done $0x0;
	s16 =	sshll.u32 s15, $0xD  }
0x2b: {  	[sflag:s4] =	ssyncadd.s32 $0xFFFFE000;
	s19 =	sor.u32 $0x20, s16  }
0x2c: {  	s15 =	smul.u32 $0x8100, s15;
	v3 =	vld [tilespmem:s19+$0x10]  }
0x2d: {  	s30 =	sand.u32 $0x1, s12;
	v2 =	vld [tilespmem:s19+$0xFFFFFFF0]  }
0x2e: {  	s16 =	smul.u32 $0x8100, s30;
	s15 =	sshrl.u32 s15, $0x2;
	v0 =	vld [tilespmem:s19+$0x0]  }
0x2f: {  	v1 =	vld [tilespmem:s19+$0xFFFFFFE0];
	s17 =	sor.u32 $0x4000, s15  }
0x30: {  	s31 =	sshrl.u32 s16, $0x2;
	s16 =	sadd.s32 $0x0, s17  }
0x31: {  	s18 =	simm.s32 $0x4;
	s19 =	sadd.s32 $0x40, s19;
	s15 =	sor.u32 $0x4000, s31;
	[tilespmem:s16+$0x1830 ss:$0x81] =	vst.msk $0xffff, v3  }
.LBB1_3:
0x32: {  	v3 =	vld [tilespmem:s19+$0x10];
	p1 =	sne.s32 s18, $0x1FC;
	[tilespmem:s16+$0x810 ss:$0x81] =	vst.msk $0xffff, v2;
	s20 =	smov.u32 s18;
	s18 =	sadd.s32 $0x4, s18  }
.Ltmp3:
0x33: {  	v2 =	vld [tilespmem:s19+$0xFFFFFFF0];
	[tilespmem:s16+$0x1020 ss:$0x81] =	vst.msk $0xffff, v0;
	(pc) =	sbr.rel @p1 .LBB1_3-.Ltmp3, $4  }
0x34: {  	v0 =	vld [tilespmem:s19+$0x0];
	[tilespmem:s16+$0x0 ss:$0x81] =	vst.msk $0xffff, v1  }
0x35: {  	s16 =	sshra.s32 s20, $0x2;
	v1 =	vld [tilespmem:s19+$0xFFFFFFE0]  }
0x36: {  	s16 =	sadd.s32 s16, s17  }
0x37: {  	s19 =	sadd.s32 $0x40, s19;
	[tilespmem:s16+$0x1830 ss:$0x81] =	vst.msk $0xffff, v3  }
.Ltmp4:
0x38: {  	_ = 	snop;
	(pc) =	sbr.rel .LBB1_4-.Ltmp4, $1  }
0x39: {  	_ =	sdelay $0x3  }
.LBB1_6:
0x3a: {  	_ =	sfence.sel $0x180000  }
0x3b: {  	s2 =	simm.s32 $0x1;
	[bflag:$0x0] =	sbarrier.arrive $0xFFFF  }
0x3c: {  	s31 =	simm.s32 $0x2;
	[sflag:s2] =	ssyncpa.u1 $0x1  }
0x3d: {  	[sflag:s31] =	ssyncpa.u1 $0x1  }
0x3e: {  	p0 =	sne.s32 s0, $0x0;
	_ =	strace $0x90000050  }
0x3f: {  	s0 =	sadd.s32 @!p0 $0x100000, s1;
	[bflag:$0x2] =	sbarrier.arrive $0xFFFF  }
0x40: {  	[sflag:s0] =	ssyncadd.tile.s32 @!p0 $0x1;
	_ =	shalt  }
.Lfunc_end1:
_tile_overlayer_lowered:
.L_overlay_start_2:
0x41: {  	(tag) =	ssettag $0x2  }
0x42: {  	s0 =	rddreg [dreg:$0x0];
	s2 =	stileid.u32  }
0x43: {  	s1 =	rddreg [dreg:$0x1];
	p0 =	sne.s32 s2, $0x0  }
0x44: {  	s3 =	rddreg [dreg:$0x2];
	[bflag:$0x3] =	sbarrier.arrive $0xFFFF;
	s2 =	simm.s32 @!p0 $0x1C01  }
0x45: {  	[timem:s3], [sflag:s2] =	dma.local @!p0 [hbm:s0], s1  }
0x46: {  	s0 =	simm.s32 @!p0 $0x1  }
0x47: {  	_ =	swait.ge @!p0 [sflag:s0], s1  }
0x48: {  	s1 =	ssub.s32 @!p0 $0x0, s1;
	[sflag:s0] =	ssyncset.done @!p0 $0x0  }
0x49: {  	[sflag:s0] =	ssyncadd.s32 @!p0 s1  }
0x4a: {  	[bflag:$0x3] =	sbarrier.arrive $0xFFFF  }
0x4b: {  	_ =	shalt  }

</sc_bundles>
